<compile_context>
chip_gen: v7x
topology: tpu7x:2x2x1
jax: 0.10.2.dev20260603
libtpu: 0.0.44.dev20260713+nightly
codegen_flags: <defaults>
</compile_context>

<pallas_src>
import functools

import jax
import jax.numpy as jnp
from jax import lax
from jax.experimental import pallas as pl
from jax.experimental.pallas import tpu as pltpu
from jax.experimental.pallas import tpu_sc as plsc

_NS = 16
_NC = 2
_CH = 80


def _sc_segment_sum(gate_embed, dst_t, zeros, n_nodes):
  e_total, h = gate_embed.shape
  hh = h // _NC
  ept = e_total // _NS
  nchunks = ept // _CH
  ksub = _CH // 16
  nrchunk = -(-(-(-n_nodes // _NS)) // _CH)
  npt = nrchunk * _CH

  mesh = plsc.VectorSubcoreMesh(core_axis_name="c", subcore_axis_name="s")

  @functools.partial(
      pl.kernel,
      out_type=[
          jax.ShapeDtypeStruct((_NC, n_nodes, hh), jnp.float32),
          jax.ShapeDtypeStruct((_NS, n_nodes), jnp.float32),
      ],
      mesh=mesh,
      scratch_types=[
          pltpu.VMEM((nchunks, _CH), jnp.int32),
          pltpu.VMEM((_CH, hh), jnp.float32),
          pltpu.VMEM((_CH, hh), jnp.float32),
          pltpu.VMEM((n_nodes,), jnp.float32),
          pltpu.VMEM_SHARED((n_nodes, hh), jnp.float32),
          pltpu.SemaphoreType.DMA,
          pltpu.SemaphoreType.DMA,
      ],
      compiler_params=pltpu.CompilerParams(needs_layout_passes=False),
  )
  def k(gate_hbm, dst_hbm, zeros_hbm, sums_hbm, cntp_hbm,
        idx_v, gbuf, gbuf2, cnt_priv, acc, sem_a, sem_b):
    cid = lax.axis_index("c")
    sid = lax.axis_index("s")
    pltpu.sync_copy(zeros_hbm, gbuf)

    def zb(j, carry):
      row = sid * npt + j * _CH

      @pl.when(row + _CH <= n_nodes)
      def _():
        pltpu.sync_copy(gbuf, acc.at[pl.ds(row, _CH)])

      return carry

    lax.fori_loop(0, nrchunk, zb, 0)

    def zc(j, carry):
      cnt_priv[pl.ds(j * 16, 16)] = jnp.zeros((16,), jnp.float32)
      return carry

    lax.fori_loop(0, n_nodes // 16, zc, 0)
    pltpu.sync_copy(dst_hbm.at[sid], idx_v)
    plsc.subcore_barrier()
    ones16 = jnp.ones((16,), jnp.float32)

    def gate_src(g):
      row0 = sid * ept + g * _CH
      return gate_hbm.at[pl.ds(row0, _CH), pl.ds(cid * hh, hh)]

    def counts(g):
      @pl.when(cid == 0)
      def _():
        for kk in range(ksub):
          idx16 = idx_v[g, pl.ds(kk * 16, 16)]
          plsc.addupdate_scatter(cnt_priv, [idx16], ones16)

    dummy = gate_hbm.at[pl.ds(0, _CH), pl.ds(0, hh)]
    pltpu.async_copy(gate_src(0), gbuf, sem_a)

    def body(j, carry):
      g = j * 2
      pltpu.async_copy(gate_src(g + 1), gbuf2, sem_b)
      pltpu.make_async_copy(dummy, gbuf, sem_a).wait()
      pltpu.sync_copy(gbuf, acc.at[idx_v.at[g]], add=True)
      counts(g)
      pltpu.async_copy(gate_src(g + 2), gbuf, sem_a)
      pltpu.make_async_copy(dummy, gbuf2, sem_b).wait()
      pltpu.sync_copy(gbuf2, acc.at[idx_v.at[g + 1]], add=True)
      counts(g + 1)
      return carry

    lax.fori_loop(0, (nchunks - 1) // 2, body, 0)
    pltpu.make_async_copy(dummy, gbuf, sem_a).wait()
    pltpu.sync_copy(gbuf, acc.at[idx_v.at[nchunks - 1]], add=True)
    counts(nchunks - 1)
    plsc.subcore_barrier()

    def rb(j, carry):
      row = sid * npt + j * _CH

      @pl.when(row + _CH <= n_nodes)
      def _():
        pltpu.sync_copy(acc.at[pl.ds(row, _CH)], gbuf)
        pltpu.sync_copy(gbuf, sums_hbm.at[cid, pl.ds(row, _CH)])

      return carry

    lax.fori_loop(0, nrchunk, rb, 0)

    @pl.when(cid == 0)
    def _():
      pltpu.sync_copy(cnt_priv, cntp_hbm.at[sid])

  return k(gate_embed, dst_t, zeros)


def _row_spec(blk, w):
  return pl.BlockSpec((blk, w), lambda i: (i, 0))


def _full_spec(a, b):
  return pl.BlockSpec((a, b), lambda i: (0, 0))


def _tc_gru(s0, s1, cntp_t, h, wg_t, bg, wih_a, wih_b, whh_t, bih, bhh,
            gamma, beta):
  n, hid = h.shape
  blk = 2000
  grid = (n // blk,)

  def body(s0_r, s1_r, cnt_r, h_r, wg_r, bg_r, wa_r, wb_r, wh_r, bih_r,
           bhh_r, g_r, b_r, out_r):
    hh = h_r[...]
    hb = hh.astype(jnp.bfloat16)
    c = jnp.sum(cnt_r[...], axis=1, keepdims=True)
    s = jnp.concatenate([s0_r[...], s1_r[...]], axis=1)
    pre = jnp.dot(s, wg_r[...], preferred_element_type=jnp.float32)
    agg = (pre / jnp.maximum(c, 1.0)
           + jnp.where(c > 0.5, 1.0, 0.0) * bg_r[...])
    gi = (jnp.dot(agg.astype(jnp.bfloat16), wa_r[...],
                  preferred_element_type=jnp.float32)
          + jnp.dot(hb, wb_r[...], preferred_element_type=jnp.float32)
          + bih_r[...])
    gh = jnp.dot(hb, wh_r[...], preferred_element_type=jnp.float32) + bhh_r[...]
    r = jax.nn.sigmoid(gi[:, :hid] + gh[:, :hid])
    z = jax.nn.sigmoid(gi[:, hid:2 * hid] + gh[:, hid:2 * hid])
    nn = jnp.tanh(gi[:, 2 * hid:] + r * gh[:, 2 * hid:])
    new = (1.0 - z) * nn + z * hh
    mu = jnp.mean(new, axis=1, keepdims=True)
    var = jnp.mean((new - mu) ** 2, axis=1, keepdims=True)
    out_r[...] = (g_r[...] * (new - mu) * lax.rsqrt(var + 1e-5) + b_r[...])

  return pl.pallas_call(
      body,
      grid=grid,
      in_specs=[
          _row_spec(blk, s0.shape[1]),
          _row_spec(blk, s1.shape[1]),
          _row_spec(blk, cntp_t.shape[1]),
          _row_spec(blk, hid),
          _full_spec(*wg_t.shape),
          _full_spec(*bg.shape),
          _full_spec(*wih_a.shape),
          _full_spec(*wih_b.shape),
          _full_spec(*whh_t.shape),
          _full_spec(*bih.shape),
          _full_spec(*bhh.shape),
          _full_spec(*gamma.shape),
          _full_spec(*beta.shape),
      ],
      out_specs=_row_spec(blk, hid),
      out_shape=jax.ShapeDtypeStruct((n, hid), jnp.float32),
  )(s0, s1, cntp_t, h, wg_t, bg, wih_a, wih_b, whh_t, bih, bhh, gamma, beta)


def kernel(node_states, edge_index, gate_embed, n_nodes, W_g, b_g, W_ih,
           b_ih, W_hh, b_hh, gamma, beta):
  n, hid = node_states.shape
  e_total = gate_embed.shape[0]
  dst = edge_index[1].astype(jnp.int32).reshape(_NS, e_total // _NS // _CH,
                                                _CH)
  zeros = jnp.zeros((_CH, hid // _NC), jnp.float32)
  sums, cntp = _sc_segment_sum(gate_embed, dst, zeros, n)
  return _tc_gru(
      sums[0], sums[1], cntp.T, node_states,
      W_g.T, b_g.reshape(1, hid),
      W_ih[:, :hid].T.astype(jnp.bfloat16),
      W_ih[:, hid:].T.astype(jnp.bfloat16),
      W_hh.T.astype(jnp.bfloat16),
      b_ih.reshape(1, 3 * hid), b_hh.reshape(1, 3 * hid),
      gamma.reshape(1, hid), beta.reshape(1, hid))

# --- scband reference (transcript-rebuilt; emitter-appended) ---
"""Pipeline reference for scband-state-memory-gru-28381143892398 (READ-ONLY COPY).

The authoritative reference and input builder live on the scoring server;
editing this copy changes nothing except your own understanding.
"""

import jax, jax.numpy as jnp
import numpy as np

HID = 256
N_NODES = 10000
N_EDGES = 160000


def setup_inputs(seed: int = 0) -> dict:
    key = jax.random.key(seed)
    ks = [jax.random.fold_in(key, i) for i in range(12)]
    node_states = jax.random.normal(ks[0], (N_NODES, HID), dtype=jnp.float32)
    edge_index = jax.random.randint(ks[1], (2, N_EDGES), 0, N_NODES, dtype=jnp.int64)
    gate_embed = jax.random.normal(ks[2], (N_EDGES, HID), dtype=jnp.float32)
    # gate_transform: Linear(HID, HID)
    s_lin = 1.0 / np.sqrt(HID)
    W_g = jax.random.uniform(ks[3], (HID, HID), minval=-s_lin, maxval=s_lin, dtype=jnp.float32)
    b_g = jax.random.uniform(ks[4], (HID,), minval=-s_lin, maxval=s_lin, dtype=jnp.float32)
    # GRUCell(input=2*HID, hidden=HID)
    s_gru = 1.0 / np.sqrt(HID)
    W_ih = jax.random.uniform(ks[5], (3 * HID, 2 * HID), minval=-s_gru, maxval=s_gru, dtype=jnp.float32)
    b_ih = jax.random.uniform(ks[6], (3 * HID,), minval=-s_gru, maxval=s_gru, dtype=jnp.float32)
    W_hh = jax.random.uniform(ks[7], (3 * HID, HID), minval=-s_gru, maxval=s_gru, dtype=jnp.float32)
    b_hh = jax.random.uniform(ks[8], (3 * HID,), minval=-s_gru, maxval=s_gru, dtype=jnp.float32)
    # LayerNorm params
    gamma = jnp.ones((HID,), dtype=jnp.float32)
    beta = jnp.zeros((HID,), dtype=jnp.float32)
    return {
        "node_states": node_states,
        "edge_index": edge_index,
        "gate_embed": gate_embed,
        "n_nodes": N_NODES,
        "W_g": W_g,
        "b_g": b_g,
        "W_ih": W_ih,
        "b_ih": b_ih,
        "W_hh": W_hh,
        "b_hh": b_hh,
        "gamma": gamma,
        "beta": beta,
    }


def _layer_norm(x, gamma, beta, eps=1e-5):
    mu = jnp.mean(x, axis=-1, keepdims=True)
    var = jnp.var(x, axis=-1, keepdims=True)
    return gamma * (x - mu) / jnp.sqrt(var + eps) + beta


def reference(node_states, edge_index, gate_embed, n_nodes, W_g, b_g, W_ih, b_ih, W_hh, b_hh, gamma, beta):
    num_segments = node_states.shape[0]
    dst = edge_index[1] + (n_nodes - n_nodes)
    # gate_transform
    gate_msg = gate_embed @ W_g.T + b_g
    # scatter-add aggregation over dst nodes
    gate_agg = jax.ops.segment_sum(gate_msg, dst, num_segments=num_segments)
    edge_count = jax.ops.segment_sum(jnp.ones((dst.shape[0],), dtype=jnp.float32), dst, num_segments=num_segments)
    edge_count = jnp.clip(edge_count, 1.0, None)
    gate_agg = gate_agg / edge_count[:, None]
    # GRUCell
    x = jnp.concatenate([gate_agg, node_states], axis=-1)
    gi = x @ W_ih.T + b_ih
    gh = node_states @ W_hh.T + b_hh
    i_r, i_z, i_n = jnp.split(gi, 3, axis=-1)
    h_r, h_z, h_n = jnp.split(gh, 3, axis=-1)
    r = jax.nn.sigmoid(i_r + h_r)
    z = jax.nn.sigmoid(i_z + h_z)
    n = jnp.tanh(i_n + r * h_n)
    new_states = (1.0 - z) * n + z * node_states
    # dropout is identity in eval mode
    return _layer_norm(new_states, gamma, beta)

if __name__ == "__main__":
    import jax
    _d = setup_inputs()
    print(jax.jit(kernel)(*tuple(_d.values())))

</pallas_src>

<mosaic_0001>
#map = affine_map<(d0, d1) -> (0, 0)>
#map1 = affine_map<(d0, d1) -> (0, 0, 0)>
module attributes {stable_mosaic.version = 14 : i64} {
  func.func @k(%arg0: i32, %arg1: i32, %arg2: memref<160000x256xf32, #tpu.memory_space<hbm>>, %arg3: memref<16x125x80xi32, #tpu.memory_space<hbm>>, %arg4: memref<80x128xf32, #tpu.memory_space<hbm>>, %arg5: memref<2x10000x128xf32, #tpu.memory_space<hbm>>, %arg6: memref<16x10000xf32, #tpu.memory_space<hbm>>, %arg7: memref<125x80xi32, #tpu.memory_space<vmem>>, %arg8: memref<80x128xf32, #tpu.memory_space<vmem>>, %arg9: memref<80x128xf32, #tpu.memory_space<vmem>>, %arg10: memref<10000xf32, #tpu.memory_space<vmem>>, %arg11: memref<10000x128xf32, #tpu.memory_space<vmem_shared>>, %arg12: memref<!tpu.dma_semaphore, #tpu.memory_space<semaphore_mem>>, %arg13: memref<!tpu.dma_semaphore, #tpu.memory_space<semaphore_mem>>) attributes {dimension_semantics = [#tpu.dimension_semantics<core_parallel>, #tpu.dimension_semantics<subcore_parallel>], iteration_bounds = array<i64: 2, 16>, scalar_prefetch = 0 : i64, scratch_operands = 7 : i64, tpu.core_type = #tpu.core_type<sc_vector_subcore>, window_params = [{transform_indices = #map}, {transform_indices = #map1}, {transform_indices = #map}, {transform_indices = #map1}, {transform_indices = #map}]} {
    "tpu.region"() ({
      %run_scoped3A_42 = tpu.sem_alloc : memref<!tpu.dma_semaphore, #tpu.memory_space<semaphore_mem>>
      tpu.enqueue_dma source(%arg4 : memref<80x128xf32, #tpu.memory_space<hbm>>) target(%arg8 : memref<80x128xf32, #tpu.memory_space<vmem>>) target_semaphore(%run_scoped3A_42 : memref<!tpu.dma_semaphore, #tpu.memory_space<semaphore_mem>>)
      tpu.wait_dma2 semaphore(%run_scoped3A_42 : memref<!tpu.dma_semaphore, #tpu.memory_space<semaphore_mem>>) src(%arg4 : memref<80x128xf32, #tpu.memory_space<hbm>>) dst(%arg8 : memref<80x128xf32, #tpu.memory_space<vmem>>)
      tpu.yield
    }) : () -> ()
    %scan3A = arith.constant 0 : i32
    %scan3A_0 = arith.constant 0 : i32
    %scan3A_1 = arith.constant 8 : i32
    %scan3A_2 = arith.addi %scan3A_0, %scan3A_1 : i32
    %scan3A_3 = arith.constant 1 : i32
    scf.for %scan3A_42 = %scan3A_0 to %scan3A_2 step %scan3A_3  : i32 {
      %mul3A_43 = arith.constant 640 : i32
      %mul3A_44 = arith.muli %arg1, %mul3A_43 : i32
      %mul3A_45 = arith.constant 80 : i32
      %mul3A_46 = arith.muli %scan3A_42, %mul3A_45 : i32
      %add3A_47 = arith.addi %mul3A_44, %mul3A_46 : i32
      %add3A_48 = arith.constant 80 : i32
      %add3A_49 = arith.addi %add3A_47, %add3A_48 : i32
      %le3A = arith.constant 10000 : i32
      %le3A_50 = arith.cmpi sle, %add3A_49, %le3A : i32
      %convert_element_type3A_51 = arith.extui %le3A_50 : i1 to i32
      %cond3A_52 = arith.constant 0 : i32
      %cond3A_53 = arith.cmpi ne, %convert_element_type3A_51, %cond3A_52 : i32
      scf.if %cond3A_53 {
        "tpu.region"() ({
          %run_scoped3A_54 = tpu.sem_alloc : memref<!tpu.dma_semaphore, #tpu.memory_space<semaphore_mem>>
          %dma_start3A_55 = arith.constant 0 : i32
          %dma_start3A_56 = tpu.memref_slice %arg11[%add3A_47, %dma_start3A_55] : memref<10000x128xf32, #tpu.memory_space<vmem_shared>> -> memref<80x128xf32, #tpu.memory_space<vmem_shared>>
          %dma_start3A_57 = arith.constant 0 : i32
          %dma_start3A_58 = tpu.memref_slice %arg11[%add3A_47, %dma_start3A_57] : memref<10000x128xf32, #tpu.memory_space<vmem_shared>> -> memref<80x128xf32, #tpu.memory_space<vmem_shared>>
          tpu.enqueue_dma source(%arg8 : memref<80x128xf32, #tpu.memory_space<vmem>>) target(%dma_start3A_58 : memref<80x128xf32, #tpu.memory_space<vmem_shared>>) target_semaphore(%run_scoped3A_54 : memref<!tpu.dma_semaphore, #tpu.memory_space<semaphore_mem>>)
          %dma_wait3A_59 = arith.constant 0 : i32
          %dma_wait3A_60 = tpu.memref_slice %arg11[%add3A_47, %dma_wait3A_59] : memref<10000x128xf32, #tpu.memory_space<vmem_shared>> -> memref<80x128xf32, #tpu.memory_space<vmem_shared>>
          %dma_wait3A_61 = arith.constant 0 : i32
          %dma_wait3A_62 = tpu.memref_slice %arg11[%add3A_47, %dma_wait3A_61] : memref<10000x128xf32, #tpu.memory_space<vmem_shared>> -> memref<80x128xf32, #tpu.memory_space<vmem_shared>>
          tpu.wait_dma2 semaphore(%run_scoped3A_54 : memref<!tpu.dma_semaphore, #tpu.memory_space<semaphore_mem>>) src(%arg8 : memref<80x128xf32, #tpu.memory_space<vmem>>) dst(%dma_wait3A_62 : memref<80x128xf32, #tpu.memory_space<vmem_shared>>)
          tpu.yield
        }) : () -> ()
      } else {
      }
    }
    %scan3A_4 = arith.constant 8 : i32
    %scan3A_5 = arith.constant 0 : i32
    %scan3A_6 = arith.constant 0 : i32
    %scan3A_7 = arith.constant 625 : i32
    %scan3A_8 = arith.addi %scan3A_6, %scan3A_7 : i32
    %scan3A_9 = arith.constant 1 : i32
    scf.for %scan3A_42 = %scan3A_6 to %scan3A_8 step %scan3A_9  : i32 {
      %broadcast_in_dim3A_43 = arith.constant 0.000000e+00 : f32
      %broadcast_in_dim3A_44 = vector.broadcast %broadcast_in_dim3A_43 : f32 to vector<16xf32>
      %mul3A_45 = arith.constant 16 : i32
      %mul3A_46 = arith.muli %scan3A_42, %mul3A_45 : i32
      %swap3A = arith.index_cast %mul3A_46 : i32 to index
      %swap3A_47 = tpu.vector_load %arg10[%swap3A] {strides = array<i32>} : memref<10000xf32, #tpu.memory_space<vmem>>, vector<16xf32>,
      tpu.vector_store %arg10[%swap3A], %broadcast_in_dim3A_44 {strides = array<i32>} : memref<10000xf32, #tpu.memory_space<vmem>>, vector<16xf32>,
    }
    %scan3A_10 = arith.constant 625 : i32
    "tpu.region"() ({
      %run_scoped3A_42 = tpu.sem_alloc : memref<!tpu.dma_semaphore, #tpu.memory_space<semaphore_mem>>
      %dma_start3A_43 = arith.constant 0 : i32
      %dma_start3A_44 = arith.constant 0 : i32
      %dma_start3A_45 = tpu.memref_slice %arg3[%arg1, %dma_start3A_43, %dma_start3A_44] : memref<16x125x80xi32, #tpu.memory_space<hbm>> -> memref<1x125x80xi32, #tpu.memory_space<hbm>>
      %dma_start3A_46 = tpu.memref_squeeze %dma_start3A_45 : memref<1x125x80xi32, #tpu.memory_space<hbm>> -> memref<125x80xi32, #tpu.memory_space<hbm>>
      %dma_start3A_47 = arith.constant 0 : i32
      %dma_start3A_48 = arith.constant 0 : i32
      %dma_start3A_49 = tpu.memref_slice %arg3[%arg1, %dma_start3A_47, %dma_start3A_48] : memref<16x125x80xi32, #tpu.memory_space<hbm>> -> memref<1x125x80xi32, #tpu.memory_space<hbm>>
      %dma_start3A_50 = tpu.memref_squeeze %dma_start3A_49 : memref<1x125x80xi32, #tpu.memory_space<hbm>> -> memref<125x80xi32, #tpu.memory_space<hbm>>
      tpu.enqueue_dma source(%dma_start3A_50 : memref<125x80xi32, #tpu.memory_space<hbm>>) target(%arg7 : memref<125x80xi32, #tpu.memory_space<vmem>>) target_semaphore(%run_scoped3A_42 : memref<!tpu.dma_semaphore, #tpu.memory_space<semaphore_mem>>)
      %dma_wait3A_51 = arith.constant 0 : i32
      %dma_wait3A_52 = arith.constant 0 : i32
      %dma_wait3A_53 = tpu.memref_slice %arg3[%arg1, %dma_wait3A_51, %dma_wait3A_52] : memref<16x125x80xi32, #tpu.memory_space<hbm>> -> memref<1x125x80xi32, #tpu.memory_space<hbm>>
      %dma_wait3A_54 = tpu.memref_squeeze %dma_wait3A_53 : memref<1x125x80xi32, #tpu.memory_space<hbm>> -> memref<125x80xi32, #tpu.memory_space<hbm>>
      %dma_wait3A_55 = arith.constant 0 : i32
      %dma_wait3A_56 = arith.constant 0 : i32
      %dma_wait3A_57 = tpu.memref_slice %arg3[%arg1, %dma_wait3A_55, %dma_wait3A_56] : memref<16x125x80xi32, #tpu.memory_space<hbm>> -> memref<1x125x80xi32, #tpu.memory_space<hbm>>
      %dma_wait3A_58 = tpu.memref_squeeze %dma_wait3A_57 : memref<1x125x80xi32, #tpu.memory_space<hbm>> -> memref<125x80xi32, #tpu.memory_space<hbm>>
      tpu.wait_dma2 semaphore(%run_scoped3A_42 : memref<!tpu.dma_semaphore, #tpu.memory_space<semaphore_mem>>) src(%dma_wait3A_58 : memref<125x80xi32, #tpu.memory_space<hbm>>) dst(%arg7 : memref<125x80xi32, #tpu.memory_space<vmem>>)
      tpu.yield
    }) : () -> ()
    %barrier3A = arith.constant 0 : index
    tpu.barrier barrier_id(%barrier3A)
    %broadcast_in_dim3A = arith.constant 1.000000e+00 : f32
    %broadcast_in_dim3A_11 = vector.broadcast %broadcast_in_dim3A : f32 to vector<16xf32>
    %mul3A = arith.constant 10000 : i32
    %mul3A_12 = arith.muli %arg1, %mul3A : i32
    %add3A = arith.constant 0 : i32
    %add3A_13 = arith.addi %mul3A_12, %add3A : i32
    %mul3A_14 = arith.constant 128 : i32
    %mul3A_15 = arith.muli %arg0, %mul3A_14 : i32
    %dma_start3A = tpu.memref_slice %arg2[%add3A_13, %mul3A_15] : memref<160000x256xf32, #tpu.memory_space<hbm>> -> memref<80x128xf32, #tpu.memory_space<hbm>>
    %dma_start3A_16 = tpu.memref_slice %arg2[%add3A_13, %mul3A_15] : memref<160000x256xf32, #tpu.memory_space<hbm>> -> memref<80x128xf32, #tpu.memory_space<hbm>>
    tpu.enqueue_dma source(%dma_start3A_16 : memref<80x128xf32, #tpu.memory_space<hbm>>) target(%arg8 : memref<80x128xf32, #tpu.memory_space<vmem>>) target_semaphore(%arg12 : memref<!tpu.dma_semaphore, #tpu.memory_space<semaphore_mem>>)
    %scan3A_17 = arith.constant 0 : i32
    %scan3A_18 = arith.constant 0 : i32
    %scan3A_19 = arith.constant 62 : i32
    %scan3A_20 = arith.addi %scan3A_18, %scan3A_19 : i32
    %scan3A_21 = arith.constant 1 : i32
    scf.for %scan3A_42 = %scan3A_18 to %scan3A_20 step %scan3A_21  : i32 {
      %mul3A_43 = arith.constant 2 : i32
      %mul3A_44 = arith.muli %scan3A_42, %mul3A_43 : i32
      %add3A_45 = arith.constant 1 : i32
      %add3A_46 = arith.addi %mul3A_44, %add3A_45 : i32
      %mul3A_47 = arith.constant 10000 : i32
      %mul3A_48 = arith.muli %arg1, %mul3A_47 : i32
      %mul3A_49 = arith.constant 80 : i32
      %mul3A_50 = arith.muli %add3A_46, %mul3A_49 : i32
      %add3A_51 = arith.addi %mul3A_48, %mul3A_50 : i32
      %mul3A_52 = arith.constant 128 : i32
      %mul3A_53 = arith.muli %arg0, %mul3A_52 : i32
      %dma_start3A_54 = tpu.memref_slice %arg2[%add3A_51, %mul3A_53] : memref<160000x256xf32, #tpu.memory_space<hbm>> -> memref<80x128xf32, #tpu.memory_space<hbm>>
      %dma_start3A_55 = tpu.memref_slice %arg2[%add3A_51, %mul3A_53] : memref<160000x256xf32, #tpu.memory_space<hbm>> -> memref<80x128xf32, #tpu.memory_space<hbm>>
      tpu.enqueue_dma source(%dma_start3A_55 : memref<80x128xf32, #tpu.memory_space<hbm>>) target(%arg9 : memref<80x128xf32, #tpu.memory_space<vmem>>) target_semaphore(%arg13 : memref<!tpu.dma_semaphore, #tpu.memory_space<semaphore_mem>>)
      %dma_wait3A_56 = arith.constant 0 : i32
      %dma_wait3A_57 = arith.constant 0 : i32
      %dma_wait3A_58 = tpu.memref_slice %arg2[%dma_wait3A_56, %dma_wait3A_57] : memref<160000x256xf32, #tpu.memory_space<hbm>> -> memref<80x128xf32, #tpu.memory_space<hbm>>
      %dma_wait3A_59 = arith.constant 0 : i32
      %dma_wait3A_60 = arith.constant 0 : i32
      %dma_wait3A_61 = tpu.memref_slice %arg2[%dma_wait3A_59, %dma_wait3A_60] : memref<160000x256xf32, #tpu.memory_space<hbm>> -> memref<80x128xf32, #tpu.memory_space<hbm>>
      tpu.wait_dma2 semaphore(%arg12 : memref<!tpu.dma_semaphore, #tpu.memory_space<semaphore_mem>>) src(%dma_wait3A_61 : memref<80x128xf32, #tpu.memory_space<hbm>>) dst(%arg8 : memref<80x128xf32, #tpu.memory_space<vmem>>)
      "tpu.region"() ({
        %run_scoped3A_93 = tpu.sem_alloc : memref<!tpu.dma_semaphore, #tpu.memory_space<semaphore_mem>>
        %dma_start3A_94 = arith.constant 0 : i32
        %dma_start3A_95 = tpu.memref_slice %arg7[%mul3A_44, %dma_start3A_94] : memref<125x80xi32, #tpu.memory_space<vmem>> -> memref<1x80xi32, #tpu.memory_space<vmem>>
        %dma_start3A_96 = tpu.memref_squeeze %dma_start3A_95 : memref<1x80xi32, #tpu.memory_space<vmem>> -> memref<80xi32, #tpu.memory_space<vmem>>
        %dma_start3A_97 = arith.constant 0 : i32
        %dma_start3A_98 = arith.constant 0 : i32
        %dma_start3A_99 = tpu.memref_slice %arg11[%dma_start3A_97, %dma_start3A_98] : memref<10000x128xf32, #tpu.memory_space<vmem_shared>> -> memref<10000x128xf32, #tpu.memory_space<vmem_shared>>
        tpu.enqueue_indirect_dma source(%arg8 : memref<80x128xf32, #tpu.memory_space<vmem>>) target(%dma_start3A_99 : memref<10000x128xf32, #tpu.memory_space<vmem_shared>>) offsets(%dma_start3A_96 : memref<80xi32, #tpu.memory_space<vmem>>) semaphore(%run_scoped3A_93 : memref<!tpu.dma_semaphore, #tpu.memory_space<semaphore_mem>>) {add = true}
        %dma_wait3A_100 = arith.constant 0 : i32
        %dma_wait3A_101 = tpu.memref_slice %arg7[%mul3A_44, %dma_wait3A_100] : memref<125x80xi32, #tpu.memory_space<vmem>> -> memref<1x80xi32, #tpu.memory_space<vmem>>
        %dma_wait3A_102 = tpu.memref_squeeze %dma_wait3A_101 : memref<1x80xi32, #tpu.memory_space<vmem>> -> memref<80xi32, #tpu.memory_space<vmem>>
        %dma_wait3A_103 = arith.constant 0 : i32
        %dma_wait3A_104 = arith.constant 0 : i32
        %dma_wait3A_105 = tpu.memref_slice %arg11[%dma_wait3A_103, %dma_wait3A_104] : memref<10000x128xf32, #tpu.memory_space<vmem_shared>> -> memref<10000x128xf32, #tpu.memory_space<vmem_shared>>
        tpu.wait_indirect_dma semaphore(%run_scoped3A_93 : memref<!tpu.dma_semaphore, #tpu.memory_space<semaphore_mem>>) src(%arg8 : memref<80x128xf32, #tpu.memory_space<vmem>>) dst(%dma_wait3A_105 : memref<10000x128xf32, #tpu.memory_space<vmem_shared>>)
        tpu.yield
      }) : () -> ()
      %eq3A_62 = arith.constant 0 : i32
      %eq3A_63 = arith.cmpi eq, %arg0, %eq3A_62 : i32
      %convert_element_type3A_64 = arith.extui %eq3A_63 : i1 to i32
      %cond3A_65 = arith.constant 0 : i32
      %cond3A_66 = arith.cmpi ne, %convert_element_type3A_64, %cond3A_65 : i32
      scf.if %cond3A_66 {
        %get3A = arith.index_cast %mul3A_44 : i32 to index
        %get3A_93 = arith.constant 0 : index
        %get3A_94 = tpu.vector_load %arg7[%get3A, %get3A_93] {strides = array<i32>} : memref<125x80xi32, #tpu.memory_space<vmem>>, vector<16xi32>,
        tpu.vector_store_idx %arg10[%get3A_94], %broadcast_in_dim3A_11 {add = true} : memref<10000xf32, #tpu.memory_space<vmem>>[vector<16xi32>], vector<16xf32>,
        %get3A_95 = arith.index_cast %mul3A_44 : i32 to index
        %get3A_96 = arith.constant 16 : index
        %get3A_97 = tpu.vector_load %arg7[%get3A_95, %get3A_96] {strides = array<i32>} : memref<125x80xi32, #tpu.memory_space<vmem>>, vector<16xi32>,
        tpu.vector_store_idx %arg10[%get3A_97], %broadcast_in_dim3A_11 {add = true} : memref<10000xf32, #tpu.memory_space<vmem>>[vector<16xi32>], vector<16xf32>,
        %get3A_98 = arith.index_cast %mul3A_44 : i32 to index
        %get3A_99 = arith.constant 32 : index
        %get3A_100 = tpu.vector_load %arg7[%get3A_98, %get3A_99] {strides = array<i32>} : memref<125x80xi32, #tpu.memory_space<vmem>>, vector<16xi32>,
        tpu.vector_store_idx %arg10[%get3A_100], %broadcast_in_dim3A_11 {add = true} : memref<10000xf32, #tpu.memory_space<vmem>>[vector<16xi32>], vector<16xf32>,
        %get3A_101 = arith.index_cast %mul3A_44 : i32 to index
        %get3A_102 = arith.constant 48 : index
        %get3A_103 = tpu.vector_load %arg7[%get3A_101, %get3A_102] {strides = array<i32>} : memref<125x80xi32, #tpu.memory_space<vmem>>, vector<16xi32>,
        tpu.vector_store_idx %arg10[%get3A_103], %broadcast_in_dim3A_11 {add = true} : memref<10000xf32, #tpu.memory_space<vmem>>[vector<16xi32>], vector<16xf32>,
        %get3A_104 = arith.index_cast %mul3A_44 : i32 to index
        %get3A_105 = arith.constant 64 : index
        %get3A_106 = tpu.vector_load %arg7[%get3A_104, %get3A_105] {strides = array<i32>} : memref<125x80xi32, #tpu.memory_space<vmem>>, vector<16xi32>,
        tpu.vector_store_idx %arg10[%get3A_106], %broadcast_in_dim3A_11 {add = true} : memref<10000xf32, #tpu.memory_space<vmem>>[vector<16xi32>], vector<16xf32>,
      } else {
      }
      %add3A_67 = arith.constant 2 : i32
      %add3A_68 = arith.addi %mul3A_44, %add3A_67 : i32
      %mul3A_69 = arith.constant 10000 : i32
      %mul3A_70 = arith.muli %arg1, %mul3A_69 : i32
      %mul3A_71 = arith.constant 80 : i32
      %mul3A_72 = arith.muli %add3A_68, %mul3A_71 : i32
      %add3A_73 = arith.addi %mul3A_70, %mul3A_72 : i32
      %mul3A_74 = arith.constant 128 : i32
      %mul3A_75 = arith.muli %arg0, %mul3A_74 : i32
      %dma_start3A_76 = tpu.memref_slice %arg2[%add3A_73, %mul3A_75] : memref<160000x256xf32, #tpu.memory_space<hbm>> -> memref<80x128xf32, #tpu.memory_space<hbm>>
      %dma_start3A_77 = tpu.memref_slice %arg2[%add3A_73, %mul3A_75] : memref<160000x256xf32, #tpu.memory_space<hbm>> -> memref<80x128xf32, #tpu.memory_space<hbm>>
      tpu.enqueue_dma source(%dma_start3A_77 : memref<80x128xf32, #tpu.memory_space<hbm>>) target(%arg8 : memref<80x128xf32, #tpu.memory_space<vmem>>) target_semaphore(%arg12 : memref<!tpu.dma_semaphore, #tpu.memory_space<semaphore_mem>>)
      %dma_wait3A_78 = arith.constant 0 : i32
      %dma_wait3A_79 = arith.constant 0 : i32
      %dma_wait3A_80 = tpu.memref_slice %arg2[%dma_wait3A_78, %dma_wait3A_79] : memref<160000x256xf32, #tpu.memory_space<hbm>> -> memref<80x128xf32, #tpu.memory_space<hbm>>
      %dma_wait3A_81 = arith.constant 0 : i32
      %dma_wait3A_82 = arith.constant 0 : i32
      %dma_wait3A_83 = tpu.memref_slice %arg2[%dma_wait3A_81, %dma_wait3A_82] : memref<160000x256xf32, #tpu.memory_space<hbm>> -> memref<80x128xf32, #tpu.memory_space<hbm>>
      tpu.wait_dma2 semaphore(%arg13 : memref<!tpu.dma_semaphore, #tpu.memory_space<semaphore_mem>>) src(%dma_wait3A_83 : memref<80x128xf32, #tpu.memory_space<hbm>>) dst(%arg9 : memref<80x128xf32, #tpu.memory_space<vmem>>)
      %add3A_84 = arith.constant 1 : i32
      %add3A_85 = arith.addi %mul3A_44, %add3A_84 : i32
      "tpu.region"() ({
        %run_scoped3A_93 = tpu.sem_alloc : memref<!tpu.dma_semaphore, #tpu.memory_space<semaphore_mem>>
        %dma_start3A_94 = arith.constant 0 : i32
        %dma_start3A_95 = tpu.memref_slice %arg7[%add3A_85, %dma_start3A_94] : memref<125x80xi32, #tpu.memory_space<vmem>> -> memref<1x80xi32, #tpu.memory_space<vmem>>
        %dma_start3A_96 = tpu.memref_squeeze %dma_start3A_95 : memref<1x80xi32, #tpu.memory_space<vmem>> -> memref<80xi32, #tpu.memory_space<vmem>>
        %dma_start3A_97 = arith.constant 0 : i32
        %dma_start3A_98 = arith.constant 0 : i32
        %dma_start3A_99 = tpu.memref_slice %arg11[%dma_start3A_97, %dma_start3A_98] : memref<10000x128xf32, #tpu.memory_space<vmem_shared>> -> memref<10000x128xf32, #tpu.memory_space<vmem_shared>>
        tpu.enqueue_indirect_dma source(%arg9 : memref<80x128xf32, #tpu.memory_space<vmem>>) target(%dma_start3A_99 : memref<10000x128xf32, #tpu.memory_space<vmem_shared>>) offsets(%dma_start3A_96 : memref<80xi32, #tpu.memory_space<vmem>>) semaphore(%run_scoped3A_93 : memref<!tpu.dma_semaphore, #tpu.memory_space<semaphore_mem>>) {add = true}
        %dma_wait3A_100 = arith.constant 0 : i32
        %dma_wait3A_101 = tpu.memref_slice %arg7[%add3A_85, %dma_wait3A_100] : memref<125x80xi32, #tpu.memory_space<vmem>> -> memref<1x80xi32, #tpu.memory_space<vmem>>
        %dma_wait3A_102 = tpu.memref_squeeze %dma_wait3A_101 : memref<1x80xi32, #tpu.memory_space<vmem>> -> memref<80xi32, #tpu.memory_space<vmem>>
        %dma_wait3A_103 = arith.constant 0 : i32
        %dma_wait3A_104 = arith.constant 0 : i32
        %dma_wait3A_105 = tpu.memref_slice %arg11[%dma_wait3A_103, %dma_wait3A_104] : memref<10000x128xf32, #tpu.memory_space<vmem_shared>> -> memref<10000x128xf32, #tpu.memory_space<vmem_shared>>
        tpu.wait_indirect_dma semaphore(%run_scoped3A_93 : memref<!tpu.dma_semaphore, #tpu.memory_space<semaphore_mem>>) src(%arg9 : memref<80x128xf32, #tpu.memory_space<vmem>>) dst(%dma_wait3A_105 : memref<10000x128xf32, #tpu.memory_space<vmem_shared>>)
        tpu.yield
      }) : () -> ()
      %add3A_86 = arith.constant 1 : i32
      %add3A_87 = arith.addi %mul3A_44, %add3A_86 : i32
      %eq3A_88 = arith.constant 0 : i32
      %eq3A_89 = arith.cmpi eq, %arg0, %eq3A_88 : i32
      %convert_element_type3A_90 = arith.extui %eq3A_89 : i1 to i32
      %cond3A_91 = arith.constant 0 : i32
      %cond3A_92 = arith.cmpi ne, %convert_element_type3A_90, %cond3A_91 : i32
      scf.if %cond3A_92 {
        %get3A = arith.index_cast %add3A_87 : i32 to index
        %get3A_93 = arith.constant 0 : index
        %get3A_94 = tpu.vector_load %arg7[%get3A, %get3A_93] {strides = array<i32>} : memref<125x80xi32, #tpu.memory_space<vmem>>, vector<16xi32>,
        tpu.vector_store_idx %arg10[%get3A_94], %broadcast_in_dim3A_11 {add = true} : memref<10000xf32, #tpu.memory_space<vmem>>[vector<16xi32>], vector<16xf32>,
        %get3A_95 = arith.index_cast %add3A_87 : i32 to index
        %get3A_96 = arith.constant 16 : index
        %get3A_97 = tpu.vector_load %arg7[%get3A_95, %get3A_96] {strides = array<i32>} : memref<125x80xi32, #tpu.memory_space<vmem>>, vector<16xi32>,
        tpu.vector_store_idx %arg10[%get3A_97], %broadcast_in_dim3A_11 {add = true} : memref<10000xf32, #tpu.memory_space<vmem>>[vector<16xi32>], vector<16xf32>,
        %get3A_98 = arith.index_cast %add3A_87 : i32 to index
        %get3A_99 = arith.constant 32 : index
        %get3A_100 = tpu.vector_load %arg7[%get3A_98, %get3A_99] {strides = array<i32>} : memref<125x80xi32, #tpu.memory_space<vmem>>, vector<16xi32>,
        tpu.vector_store_idx %arg10[%get3A_100], %broadcast_in_dim3A_11 {add = true} : memref<10000xf32, #tpu.memory_space<vmem>>[vector<16xi32>], vector<16xf32>,
        %get3A_101 = arith.index_cast %add3A_87 : i32 to index
        %get3A_102 = arith.constant 48 : index
        %get3A_103 = tpu.vector_load %arg7[%get3A_101, %get3A_102] {strides = array<i32>} : memref<125x80xi32, #tpu.memory_space<vmem>>, vector<16xi32>,
        tpu.vector_store_idx %arg10[%get3A_103], %broadcast_in_dim3A_11 {add = true} : memref<10000xf32, #tpu.memory_space<vmem>>[vector<16xi32>], vector<16xf32>,
        %get3A_104 = arith.index_cast %add3A_87 : i32 to index
        %get3A_105 = arith.constant 64 : index
        %get3A_106 = tpu.vector_load %arg7[%get3A_104, %get3A_105] {strides = array<i32>} : memref<125x80xi32, #tpu.memory_space<vmem>>, vector<16xi32>,
        tpu.vector_store_idx %arg10[%get3A_106], %broadcast_in_dim3A_11 {add = true} : memref<10000xf32, #tpu.memory_space<vmem>>[vector<16xi32>], vector<16xf32>,
      } else {
      }
    }
    %scan3A_22 = arith.constant 62 : i32
    %dma_wait3A = arith.constant 0 : i32
    %dma_wait3A_23 = arith.constant 0 : i32
    %dma_wait3A_24 = tpu.memref_slice %arg2[%dma_wait3A, %dma_wait3A_23] : memref<160000x256xf32, #tpu.memory_space<hbm>> -> memref<80x128xf32, #tpu.memory_space<hbm>>
    %dma_wait3A_25 = arith.constant 0 : i32
    %dma_wait3A_26 = arith.constant 0 : i32
    %dma_wait3A_27 = tpu.memref_slice %arg2[%dma_wait3A_25, %dma_wait3A_26] : memref<160000x256xf32, #tpu.memory_space<hbm>> -> memref<80x128xf32, #tpu.memory_space<hbm>>
    tpu.wait_dma2 semaphore(%arg12 : memref<!tpu.dma_semaphore, #tpu.memory_space<semaphore_mem>>) src(%dma_wait3A_27 : memref<80x128xf32, #tpu.memory_space<hbm>>) dst(%arg8 : memref<80x128xf32, #tpu.memory_space<vmem>>)
    %run_scoped3A = arith.constant 124 : i32
    "tpu.region"() ({
      %run_scoped3A_42 = tpu.sem_alloc : memref<!tpu.dma_semaphore, #tpu.memory_space<semaphore_mem>>
      %dma_start3A_43 = arith.constant 0 : i32
      %dma_start3A_44 = tpu.memref_slice %arg7[%run_scoped3A, %dma_start3A_43] : memref<125x80xi32, #tpu.memory_space<vmem>> -> memref<1x80xi32, #tpu.memory_space<vmem>>
      %dma_start3A_45 = tpu.memref_squeeze %dma_start3A_44 : memref<1x80xi32, #tpu.memory_space<vmem>> -> memref<80xi32, #tpu.memory_space<vmem>>
      %dma_start3A_46 = arith.constant 0 : i32
      %dma_start3A_47 = arith.constant 0 : i32
      %dma_start3A_48 = tpu.memref_slice %arg11[%dma_start3A_46, %dma_start3A_47] : memref<10000x128xf32, #tpu.memory_space<vmem_shared>> -> memref<10000x128xf32, #tpu.memory_space<vmem_shared>>
      tpu.enqueue_indirect_dma source(%arg8 : memref<80x128xf32, #tpu.memory_space<vmem>>) target(%dma_start3A_48 : memref<10000x128xf32, #tpu.memory_space<vmem_shared>>) offsets(%dma_start3A_45 : memref<80xi32, #tpu.memory_space<vmem>>) semaphore(%run_scoped3A_42 : memref<!tpu.dma_semaphore, #tpu.memory_space<semaphore_mem>>) {add = true}
      %dma_wait3A_49 = arith.constant 0 : i32
      %dma_wait3A_50 = tpu.memref_slice %arg7[%run_scoped3A, %dma_wait3A_49] : memref<125x80xi32, #tpu.memory_space<vmem>> -> memref<1x80xi32, #tpu.memory_space<vmem>>
      %dma_wait3A_51 = tpu.memref_squeeze %dma_wait3A_50 : memref<1x80xi32, #tpu.memory_space<vmem>> -> memref<80xi32, #tpu.memory_space<vmem>>
      %dma_wait3A_52 = arith.constant 0 : i32
      %dma_wait3A_53 = arith.constant 0 : i32
      %dma_wait3A_54 = tpu.memref_slice %arg11[%dma_wait3A_52, %dma_wait3A_53] : memref<10000x128xf32, #tpu.memory_space<vmem_shared>> -> memref<10000x128xf32, #tpu.memory_space<vmem_shared>>
      tpu.wait_indirect_dma semaphore(%run_scoped3A_42 : memref<!tpu.dma_semaphore, #tpu.memory_space<semaphore_mem>>) src(%arg8 : memref<80x128xf32, #tpu.memory_space<vmem>>) dst(%dma_wait3A_54 : memref<10000x128xf32, #tpu.memory_space<vmem_shared>>)
      tpu.yield
    }) : () -> ()
    %eq3A = arith.constant 0 : i32
    %eq3A_28 = arith.cmpi eq, %arg0, %eq3A : i32
    %convert_element_type3A = arith.extui %eq3A_28 : i1 to i32
    %cond3A = arith.constant 0 : i32
    %cond3A_29 = arith.cmpi ne, %convert_element_type3A, %cond3A : i32
    scf.if %cond3A_29 {
      %get3A = arith.constant 124 : i32
      %get3A_42 = arith.index_cast %get3A : i32 to index
      %get3A_43 = arith.constant 0 : index
      %get3A_44 = tpu.vector_load %arg7[%get3A_42, %get3A_43] {strides = array<i32>} : memref<125x80xi32, #tpu.memory_space<vmem>>, vector<16xi32>,
      tpu.vector_store_idx %arg10[%get3A_44], %broadcast_in_dim3A_11 {add = true} : memref<10000xf32, #tpu.memory_space<vmem>>[vector<16xi32>], vector<16xf32>,
      %get3A_45 = arith.constant 124 : i32
      %get3A_46 = arith.index_cast %get3A_45 : i32 to index
      %get3A_47 = arith.constant 16 : index
      %get3A_48 = tpu.vector_load %arg7[%get3A_46, %get3A_47] {strides = array<i32>} : memref<125x80xi32, #tpu.memory_space<vmem>>, vector<16xi32>,
      tpu.vector_store_idx %arg10[%get3A_48], %broadcast_in_dim3A_11 {add = true} : memref<10000xf32, #tpu.memory_space<vmem>>[vector<16xi32>], vector<16xf32>,
      %get3A_49 = arith.constant 124 : i32
      %get3A_50 = arith.index_cast %get3A_49 : i32 to index
      %get3A_51 = arith.constant 32 : index
      %get3A_52 = tpu.vector_load %arg7[%get3A_50, %get3A_51] {strides = array<i32>} : memref<125x80xi32, #tpu.memory_space<vmem>>, vector<16xi32>,
      tpu.vector_store_idx %arg10[%get3A_52], %broadcast_in_dim3A_11 {add = true} : memref<10000xf32, #tpu.memory_space<vmem>>[vector<16xi32>], vector<16xf32>,
      %get3A_53 = arith.constant 124 : i32
      %get3A_54 = arith.index_cast %get3A_53 : i32 to index
      %get3A_55 = arith.constant 48 : index
      %get3A_56 = tpu.vector_load %arg7[%get3A_54, %get3A_55] {strides = array<i32>} : memref<125x80xi32, #tpu.memory_space<vmem>>, vector<16xi32>,
      tpu.vector_store_idx %arg10[%get3A_56], %broadcast_in_dim3A_11 {add = true} : memref<10000xf32, #tpu.memory_space<vmem>>[vector<16xi32>], vector<16xf32>,
      %get3A_57 = arith.constant 124 : i32
      %get3A_58 = arith.index_cast %get3A_57 : i32 to index
      %get3A_59 = arith.constant 64 : index
      %get3A_60 = tpu.vector_load %arg7[%get3A_58, %get3A_59] {strides = array<i32>} : memref<125x80xi32, #tpu.memory_space<vmem>>, vector<16xi32>,
      tpu.vector_store_idx %arg10[%get3A_60], %broadcast_in_dim3A_11 {add = true} : memref<10000xf32, #tpu.memory_space<vmem>>[vector<16xi32>], vector<16xf32>,
    } else {
    }
    %barrier3A_30 = arith.constant 0 : index
    tpu.barrier barrier_id(%barrier3A_30)
    %scan3A_31 = arith.constant 0 : i32
    %scan3A_32 = arith.constant 0 : i32
    %scan3A_33 = arith.constant 8 : i32
    %scan3A_34 = arith.addi %scan3A_32, %scan3A_33 : i32
    %scan3A_35 = arith.constant 1 : i32
    scf.for %scan3A_42 = %scan3A_32 to %scan3A_34 step %scan3A_35  : i32 {
      %mul3A_43 = arith.constant 640 : i32
      %mul3A_44 = arith.muli %arg1, %mul3A_43 : i32
      %mul3A_45 = arith.constant 80 : i32
      %mul3A_46 = arith.muli %scan3A_42, %mul3A_45 : i32
      %add3A_47 = arith.addi %mul3A_44, %mul3A_46 : i32
      %add3A_48 = arith.constant 80 : i32
      %add3A_49 = arith.addi %add3A_47, %add3A_48 : i32
      %le3A = arith.constant 10000 : i32
      %le3A_50 = arith.cmpi sle, %add3A_49, %le3A : i32
      %convert_element_type3A_51 = arith.extui %le3A_50 : i1 to i32
      %cond3A_52 = arith.constant 0 : i32
      %cond3A_53 = arith.cmpi ne, %convert_element_type3A_51, %cond3A_52 : i32
      scf.if %cond3A_53 {
        "tpu.region"() ({
          %run_scoped3A_54 = tpu.sem_alloc : memref<!tpu.dma_semaphore, #tpu.memory_space<semaphore_mem>>
          %dma_start3A_55 = arith.constant 0 : i32
          %dma_start3A_56 = tpu.memref_slice %arg11[%add3A_47, %dma_start3A_55] : memref<10000x128xf32, #tpu.memory_space<vmem_shared>> -> memref<80x128xf32, #tpu.memory_space<vmem_shared>>
          %dma_start3A_57 = arith.constant 0 : i32
          %dma_start3A_58 = tpu.memref_slice %arg11[%add3A_47, %dma_start3A_57] : memref<10000x128xf32, #tpu.memory_space<vmem_shared>> -> memref<80x128xf32, #tpu.memory_space<vmem_shared>>
          tpu.enqueue_dma source(%dma_start3A_58 : memref<80x128xf32, #tpu.memory_space<vmem_shared>>) target(%arg8 : memref<80x128xf32, #tpu.memory_space<vmem>>) target_semaphore(%run_scoped3A_54 : memref<!tpu.dma_semaphore, #tpu.memory_space<semaphore_mem>>)
          %dma_wait3A_59 = arith.constant 0 : i32
          %dma_wait3A_60 = tpu.memref_slice %arg11[%add3A_47, %dma_wait3A_59] : memref<10000x128xf32, #tpu.memory_space<vmem_shared>> -> memref<80x128xf32, #tpu.memory_space<vmem_shared>>
          %dma_wait3A_61 = arith.constant 0 : i32
          %dma_wait3A_62 = tpu.memref_slice %arg11[%add3A_47, %dma_wait3A_61] : memref<10000x128xf32, #tpu.memory_space<vmem_shared>> -> memref<80x128xf32, #tpu.memory_space<vmem_shared>>
          tpu.wait_dma2 semaphore(%run_scoped3A_54 : memref<!tpu.dma_semaphore, #tpu.memory_space<semaphore_mem>>) src(%dma_wait3A_62 : memref<80x128xf32, #tpu.memory_space<vmem_shared>>) dst(%arg8 : memref<80x128xf32, #tpu.memory_space<vmem>>)
          tpu.yield
        }) : () -> ()
        "tpu.region"() ({
          %run_scoped3A_54 = tpu.sem_alloc : memref<!tpu.dma_semaphore, #tpu.memory_space<semaphore_mem>>
          %dma_start3A_55 = arith.constant 0 : i32
          %dma_start3A_56 = tpu.memref_slice %arg5[%arg0, %add3A_47, %dma_start3A_55] : memref<2x10000x128xf32, #tpu.memory_space<hbm>> -> memref<1x80x128xf32, #tpu.memory_space<hbm>>
          %dma_start3A_57 = tpu.memref_squeeze %dma_start3A_56 : memref<1x80x128xf32, #tpu.memory_space<hbm>> -> memref<80x128xf32, #tpu.memory_space<hbm>>
          %dma_start3A_58 = arith.constant 0 : i32
          %dma_start3A_59 = tpu.memref_slice %arg5[%arg0, %add3A_47, %dma_start3A_58] : memref<2x10000x128xf32, #tpu.memory_space<hbm>> -> memref<1x80x128xf32, #tpu.memory_space<hbm>>
          %dma_start3A_60 = tpu.memref_squeeze %dma_start3A_59 : memref<1x80x128xf32, #tpu.memory_space<hbm>> -> memref<80x128xf32, #tpu.memory_space<hbm>>
          tpu.enqueue_dma source(%arg8 : memref<80x128xf32, #tpu.memory_space<vmem>>) target(%dma_start3A_60 : memref<80x128xf32, #tpu.memory_space<hbm>>) target_semaphore(%run_scoped3A_54 : memref<!tpu.dma_semaphore, #tpu.memory_space<semaphore_mem>>)
          %dma_wait3A_61 = arith.constant 0 : i32
          %dma_wait3A_62 = tpu.memref_slice %arg5[%arg0, %add3A_47, %dma_wait3A_61] : memref<2x10000x128xf32, #tpu.memory_space<hbm>> -> memref<1x80x128xf32, #tpu.memory_space<hbm>>
          %dma_wait3A_63 = tpu.memref_squeeze %dma_wait3A_62 : memref<1x80x128xf32, #tpu.memory_space<hbm>> -> memref<80x128xf32, #tpu.memory_space<hbm>>
          %dma_wait3A_64 = arith.constant 0 : i32
          %dma_wait3A_65 = tpu.memref_slice %arg5[%arg0, %add3A_47, %dma_wait3A_64] : memref<2x10000x128xf32, #tpu.memory_space<hbm>> -> memref<1x80x128xf32, #tpu.memory_space<hbm>>
          %dma_wait3A_66 = tpu.memref_squeeze %dma_wait3A_65 : memref<1x80x128xf32, #tpu.memory_space<hbm>> -> memref<80x128xf32, #tpu.memory_space<hbm>>
          tpu.wait_dma2 semaphore(%run_scoped3A_54 : memref<!tpu.dma_semaphore, #tpu.memory_space<semaphore_mem>>) src(%arg8 : memref<80x128xf32, #tpu.memory_space<vmem>>) dst(%dma_wait3A_66 : memref<80x128xf32, #tpu.memory_space<hbm>>)
          tpu.yield
        }) : () -> ()
      } else {
      }
    }
    %scan3A_36 = arith.constant 8 : i32
    %eq3A_37 = arith.constant 0 : i32
    %eq3A_38 = arith.cmpi eq, %arg0, %eq3A_37 : i32
    %convert_element_type3A_39 = arith.extui %eq3A_38 : i1 to i32
    %cond3A_40 = arith.constant 0 : i32
    %cond3A_41 = arith.cmpi ne, %convert_element_type3A_39, %cond3A_40 : i32
    scf.if %cond3A_41 {
      "tpu.region"() ({
        %run_scoped3A_42 = tpu.sem_alloc : memref<!tpu.dma_semaphore, #tpu.memory_space<semaphore_mem>>
        %dma_start3A_43 = arith.constant 0 : i32
        %dma_start3A_44 = tpu.memref_slice %arg6[%arg1, %dma_start3A_43] : memref<16x10000xf32, #tpu.memory_space<hbm>> -> memref<1x10000xf32, #tpu.memory_space<hbm>>
        %dma_start3A_45 = tpu.memref_squeeze %dma_start3A_44 : memref<1x10000xf32, #tpu.memory_space<hbm>> -> memref<10000xf32, #tpu.memory_space<hbm>>
        %dma_start3A_46 = arith.constant 0 : i32
        %dma_start3A_47 = tpu.memref_slice %arg6[%arg1, %dma_start3A_46] : memref<16x10000xf32, #tpu.memory_space<hbm>> -> memref<1x10000xf32, #tpu.memory_space<hbm>>
        %dma_start3A_48 = tpu.memref_squeeze %dma_start3A_47 : memref<1x10000xf32, #tpu.memory_space<hbm>> -> memref<10000xf32, #tpu.memory_space<hbm>>
        tpu.enqueue_dma source(%arg10 : memref<10000xf32, #tpu.memory_space<vmem>>) target(%dma_start3A_48 : memref<10000xf32, #tpu.memory_space<hbm>>) target_semaphore(%run_scoped3A_42 : memref<!tpu.dma_semaphore, #tpu.memory_space<semaphore_mem>>)
        %dma_wait3A_49 = arith.constant 0 : i32
        %dma_wait3A_50 = tpu.memref_slice %arg6[%arg1, %dma_wait3A_49] : memref<16x10000xf32, #tpu.memory_space<hbm>> -> memref<1x10000xf32, #tpu.memory_space<hbm>>
        %dma_wait3A_51 = tpu.memref_squeeze %dma_wait3A_50 : memref<1x10000xf32, #tpu.memory_space<hbm>> -> memref<10000xf32, #tpu.memory_space<hbm>>
        %dma_wait3A_52 = arith.constant 0 : i32
        %dma_wait3A_53 = tpu.memref_slice %arg6[%arg1, %dma_wait3A_52] : memref<16x10000xf32, #tpu.memory_space<hbm>> -> memref<1x10000xf32, #tpu.memory_space<hbm>>
        %dma_wait3A_54 = tpu.memref_squeeze %dma_wait3A_53 : memref<1x10000xf32, #tpu.memory_space<hbm>> -> memref<10000xf32, #tpu.memory_space<hbm>>
        tpu.wait_dma2 semaphore(%run_scoped3A_42 : memref<!tpu.dma_semaphore, #tpu.memory_space<semaphore_mem>>) src(%arg10 : memref<10000xf32, #tpu.memory_space<vmem>>) dst(%dma_wait3A_54 : memref<10000xf32, #tpu.memory_space<hbm>>)
        tpu.yield
      }) : () -> ()
    } else {
    }
    return
  }
}

module attributes {stable_mosaic.version = 14 : i64} {
  func.func @body(%arg0: i32, %arg1: memref<2000x128xf32, #tpu.memory_space<vmem>>, %arg2: memref<2000x128xf32, #tpu.memory_space<vmem>>, %arg3: memref<2000x16xf32, #tpu.memory_space<vmem>>, %arg4: memref<2000x256xf32, #tpu.memory_space<vmem>>, %arg5: memref<256x256xf32, #tpu.memory_space<vmem>>, %arg6: memref<1x256xf32, #tpu.memory_space<vmem>>, %arg7: memref<256x768xbf16, #tpu.memory_space<vmem>>, %arg8: memref<256x768xbf16, #tpu.memory_space<vmem>>, %arg9: memref<256x768xbf16, #tpu.memory_space<vmem>>, %arg10: memref<1x768xf32, #tpu.memory_space<vmem>>, %arg11: memref<1x768xf32, #tpu.memory_space<vmem>>, %arg12: memref<1x256xf32, #tpu.memory_space<vmem>>, %arg13: memref<1x256xf32, #tpu.memory_space<vmem>>, %arg14: memref<2000x256xf32, #tpu.memory_space<vmem>>) attributes {dimension_semantics = [#tpu.dimension_semantics<arbitrary>], iteration_bounds = array<i64: 5>, scalar_prefetch = 0 : i64, scratch_operands = 0 : i64, tpu.core_type = #tpu.core_type<tc>, window_params = [{transform_indices = @transform_0, window_bounds = array<i64: 2000, 128>}, {transform_indices = @transform_1, window_bounds = array<i64: 2000, 128>}, {transform_indices = @transform_2, window_bounds = array<i64: 2000, 16>}, {transform_indices = @transform_3, window_bounds = array<i64: 2000, 256>}, {pipeline_mode = #tpu.pipeline_mode<synchronous>, transform_indices = @transform_4, window_bounds = array<i64: 256, 256>}, {pipeline_mode = #tpu.pipeline_mode<synchronous>, transform_indices = @transform_5, window_bounds = array<i64: 1, 256>}, {pipeline_mode = #tpu.pipeline_mode<synchronous>, transform_indices = @transform_6, window_bounds = array<i64: 256, 768>}, {pipeline_mode = #tpu.pipeline_mode<synchronous>, transform_indices = @transform_7, window_bounds = array<i64: 256, 768>}, {pipeline_mode = #tpu.pipeline_mode<synchronous>, transform_indices = @transform_8, window_bounds = array<i64: 256, 768>}, {pipeline_mode = #tpu.pipeline_mode<synchronous>, transform_indices = @transform_9, window_bounds = array<i64: 1, 768>}, {pipeline_mode = #tpu.pipeline_mode<synchronous>, transform_indices = @transform_10, window_bounds = array<i64: 1, 768>}, {pipeline_mode = #tpu.pipeline_mode<synchronous>, transform_indices = @transform_11, window_bounds = array<i64: 1, 256>}, {pipeline_mode = #tpu.pipeline_mode<synchronous>, transform_indices = @transform_12, window_bounds = array<i64: 1, 256>}, {transform_indices = @transform_13, window_bounds = array<i64: 2000, 256>}]} {
    %get3A = arith.constant 0 : index
    %get3A_0 = arith.constant 0 : index
    %get3A_1 = vector.load %arg4[%get3A, %get3A_0] : memref<2000x256xf32, #tpu.memory_space<vmem>>, vector<2000x256xf32>
    %convert_element_type3A = arith.truncf %get3A_1 : vector<2000x256xf32> to vector<2000x256xbf16>
    %get3A_2 = arith.constant 0 : index
    %get3A_3 = arith.constant 0 : index
    %get3A_4 = vector.load %arg3[%get3A_2, %get3A_3] : memref<2000x16xf32, #tpu.memory_space<vmem>>, vector<2000x16xf32>
    %reduce_sum3A = arith.constant dense<0.000000e+00> : vector<2000xf32>
    %reduce_sum3A_5 = vector.multi_reduction <add>, %get3A_4, %reduce_sum3A [1] : vector<2000x16xf32> to vector<2000xf32>
    %broadcast_in_dim3A = vector.shape_cast %reduce_sum3A_5 : vector<2000xf32> to vector<2000x1xf32>
    %get3A_6 = arith.constant 0 : index
    %get3A_7 = arith.constant 0 : index
    %get3A_8 = vector.load %arg1[%get3A_6, %get3A_7] : memref<2000x128xf32, #tpu.memory_space<vmem>>, vector<2000x128xf32>
    %get3A_9 = arith.constant 0 : index
    %get3A_10 = arith.constant 0 : index
    %get3A_11 = vector.load %arg2[%get3A_9, %get3A_10] : memref<2000x128xf32, #tpu.memory_space<vmem>>, vector<2000x128xf32>
    %concatenate3A = tpu.concatenate %get3A_8, %get3A_11 in 1 : vector<2000x128xf32>, vector<2000x128xf32> -> vector<2000x256xf32>
    %get3A_12 = arith.constant 0 : index
    %get3A_13 = arith.constant 0 : index
    %get3A_14 = vector.load %arg5[%get3A_12, %get3A_13] : memref<256x256xf32, #tpu.memory_space<vmem>>, vector<256x256xf32>
    %dot_general3A = arith.constant dense<0.000000e+00> : vector<2000x256xf32>
    %dot_general3A_15 = tpu.matmul %concatenate3A, %get3A_14, %dot_general3A {dimension_numbers = #tpu.dot_dimension_numbers<[1], [0], [0], [1], [0, 0, 1, 1], [], []>, transpose_lhs_hint = false} : vector<2000x256xf32>, vector<256x256xf32>, vector<2000x256xf32> -> vector<2000x256xf32>
    %max3A = arith.constant 1.000000e+00 : f32
    %max3A_16 = vector.broadcast %max3A : f32 to vector<2000x1xf32>
    %max3A_17 = arith.maximumf %broadcast_in_dim3A, %max3A_16 : vector<2000x1xf32>
    %div3A = vector.broadcast %max3A_17 : vector<2000x1xf32> to vector<2000x256xf32>
    %div3A_18 = arith.divf %dot_general3A_15, %div3A : vector<2000x256xf32>
    %gt3A = arith.constant 5.000000e-01 : f32
    %gt3A_19 = vector.broadcast %gt3A : f32 to vector<2000x1xf32>
    %gt3A_20 = arith.cmpf ogt, %broadcast_in_dim3A, %gt3A_19 : vector<2000x1xf32>
    %jit3A = arith.constant 1.000000e+00 : f32
    %jit3A_21 = arith.constant 0.000000e+00 : f32
    %broadcast_in_dim3A_22 = vector.broadcast %jit3A : f32 to vector<2000x1xf32>
    %broadcast_in_dim3A_23 = vector.broadcast %jit3A_21 : f32 to vector<2000x1xf32>
    %select_n3A = arith.select %gt3A_20, %broadcast_in_dim3A_22, %broadcast_in_dim3A_23 : vector<2000x1xi1>, vector<2000x1xf32>
    %get3A_24 = arith.constant 0 : index
    %get3A_25 = arith.constant 0 : index
    %get3A_26 = vector.load %arg6[%get3A_24, %get3A_25] : memref<1x256xf32, #tpu.memory_space<vmem>>, vector<1x256xf32>
    %mul3A = vector.broadcast %select_n3A : vector<2000x1xf32> to vector<2000x256xf32>
    %mul3A_27 = vector.broadcast %get3A_26 : vector<1x256xf32> to vector<2000x256xf32>
    %mul3A_28 = arith.mulf %mul3A, %mul3A_27 : vector<2000x256xf32>
    %add3A = arith.addf %div3A_18, %mul3A_28 : vector<2000x256xf32>
    %convert_element_type3A_29 = arith.truncf %add3A : vector<2000x256xf32> to vector<2000x256xbf16>
    %get3A_30 = arith.constant 0 : index
    %get3A_31 = arith.constant 0 : index
    %get3A_32 = vector.load %arg7[%get3A_30, %get3A_31] : memref<256x768xbf16, #tpu.memory_space<vmem>>, vector<256x768xbf16>
    %dot_general3A_33 = arith.constant dense<0.000000e+00> : vector<2000x768xf32>
    %dot_general3A_34 = tpu.matmul %convert_element_type3A_29, %get3A_32, %dot_general3A_33 {dimension_numbers = #tpu.dot_dimension_numbers<[1], [0], [0], [1], [0, 0, 1, 1], [], []>, transpose_lhs_hint = false} : vector<2000x256xbf16>, vector<256x768xbf16>, vector<2000x768xf32> -> vector<2000x768xf32>
    %get3A_35 = arith.constant 0 : index
    %get3A_36 = arith.constant 0 : index
    %get3A_37 = vector.load %arg8[%get3A_35, %get3A_36] : memref<256x768xbf16, #tpu.memory_space<vmem>>, vector<256x768xbf16>
    %dot_general3A_38 = arith.constant dense<0.000000e+00> : vector<2000x768xf32>
    %dot_general3A_39 = tpu.matmul %convert_element_type3A, %get3A_37, %dot_general3A_38 {dimension_numbers = #tpu.dot_dimension_numbers<[1], [0], [0], [1], [0, 0, 1, 1], [], []>, transpose_lhs_hint = false} : vector<2000x256xbf16>, vector<256x768xbf16>, vector<2000x768xf32> -> vector<2000x768xf32>
    %add3A_40 = arith.addf %dot_general3A_34, %dot_general3A_39 : vector<2000x768xf32>
    %get3A_41 = arith.constant 0 : index
    %get3A_42 = arith.constant 0 : index
    %get3A_43 = vector.load %arg10[%get3A_41, %get3A_42] : memref<1x768xf32, #tpu.memory_space<vmem>>, vector<1x768xf32>
    %add3A_44 = vector.broadcast %get3A_43 : vector<1x768xf32> to vector<2000x768xf32>
    %add3A_45 = arith.addf %add3A_40, %add3A_44 : vector<2000x768xf32>
    %get3A_46 = arith.constant 0 : index
    %get3A_47 = arith.constant 0 : index
    %get3A_48 = vector.load %arg9[%get3A_46, %get3A_47] : memref<256x768xbf16, #tpu.memory_space<vmem>>, vector<256x768xbf16>
    %dot_general3A_49 = arith.constant dense<0.000000e+00> : vector<2000x768xf32>
    %dot_general3A_50 = tpu.matmul %convert_element_type3A, %get3A_48, %dot_general3A_49 {dimension_numbers = #tpu.dot_dimension_numbers<[1], [0], [0], [1], [0, 0, 1, 1], [], []>, transpose_lhs_hint = false} : vector<2000x256xbf16>, vector<256x768xbf16>, vector<2000x768xf32> -> vector<2000x768xf32>
    %get3A_51 = arith.constant 0 : index
    %get3A_52 = arith.constant 0 : index
    %get3A_53 = vector.load %arg11[%get3A_51, %get3A_52] : memref<1x768xf32, #tpu.memory_space<vmem>>, vector<1x768xf32>
    %add3A_54 = vector.broadcast %get3A_53 : vector<1x768xf32> to vector<2000x768xf32>
    %add3A_55 = arith.addf %dot_general3A_50, %add3A_54 : vector<2000x768xf32>
    %slice3A = vector.extract_strided_slice %add3A_45 {offsets = [0, 0], sizes = [2000, 256], strides = [1, 1]} : vector<2000x768xf32> to vector<2000x256xf32>
    %slice3A_56 = vector.extract_strided_slice %add3A_55 {offsets = [0, 0], sizes = [2000, 256], strides = [1, 1]} : vector<2000x768xf32> to vector<2000x256xf32>
    %add3A_57 = arith.addf %slice3A, %slice3A_56 : vector<2000x256xf32>
    %logistic3A = arith.negf %add3A_57 : vector<2000x256xf32>
    %logistic3A_58 = math.exp %logistic3A : vector<2000x256xf32>
    %logistic3A_59 = arith.constant 1.000000e+00 : f32
    %logistic3A_60 = vector.broadcast %logistic3A_59 : f32 to vector<2000x256xf32>
    %logistic3A_61 = arith.addf %logistic3A_60, %logistic3A_58 : vector<2000x256xf32>
    %logistic3A_62 = arith.divf %logistic3A_60, %logistic3A_61 : vector<2000x256xf32>
    %slice3A_63 = vector.extract_strided_slice %add3A_45 {offsets = [0, 256], sizes = [2000, 256], strides = [1, 1]} : vector<2000x768xf32> to vector<2000x256xf32>
    %slice3A_64 = vector.extract_strided_slice %add3A_55 {offsets = [0, 256], sizes = [2000, 256], strides = [1, 1]} : vector<2000x768xf32> to vector<2000x256xf32>
    %add3A_65 = arith.addf %slice3A_63, %slice3A_64 : vector<2000x256xf32>
    %logistic3A_66 = arith.negf %add3A_65 : vector<2000x256xf32>
    %logistic3A_67 = math.exp %logistic3A_66 : vector<2000x256xf32>
    %logistic3A_68 = arith.constant 1.000000e+00 : f32
    %logistic3A_69 = vector.broadcast %logistic3A_68 : f32 to vector<2000x256xf32>
    %logistic3A_70 = arith.addf %logistic3A_69, %logistic3A_67 : vector<2000x256xf32>
    %logistic3A_71 = arith.divf %logistic3A_69, %logistic3A_70 : vector<2000x256xf32>
    %slice3A_72 = vector.extract_strided_slice %add3A_45 {offsets = [0, 512], sizes = [2000, 256], strides = [1, 1]} : vector<2000x768xf32> to vector<2000x256xf32>
    %slice3A_73 = vector.extract_strided_slice %add3A_55 {offsets = [0, 512], sizes = [2000, 256], strides = [1, 1]} : vector<2000x768xf32> to vector<2000x256xf32>
    %mul3A_74 = arith.mulf %logistic3A_62, %slice3A_73 : vector<2000x256xf32>
    %add3A_75 = arith.addf %slice3A_72, %mul3A_74 : vector<2000x256xf32>
    %tanh3A = math.tanh %add3A_75 : vector<2000x256xf32>
    %sub3A = arith.constant 1.000000e+00 : f32
    %sub3A_76 = vector.broadcast %sub3A : f32 to vector<2000x256xf32>
    %sub3A_77 = arith.subf %sub3A_76, %logistic3A_71 : vector<2000x256xf32>
    %mul3A_78 = arith.mulf %sub3A_77, %tanh3A : vector<2000x256xf32>
    %mul3A_79 = arith.mulf %logistic3A_71, %get3A_1 : vector<2000x256xf32>
    %add3A_80 = arith.addf %mul3A_78, %mul3A_79 : vector<2000x256xf32>
    %reduce_sum3A_81 = arith.constant dense<0.000000e+00> : vector<2000xf32>
    %reduce_sum3A_82 = vector.multi_reduction <add>, %add3A_80, %reduce_sum3A_81 [1] : vector<2000x256xf32> to vector<2000xf32>
    %broadcast_in_dim3A_83 = vector.shape_cast %reduce_sum3A_82 : vector<2000xf32> to vector<2000x1xf32>
    %div3A_84 = arith.constant 2.560000e+02 : f32
    %div3A_85 = vector.broadcast %div3A_84 : f32 to vector<2000x1xf32>
    %div3A_86 = arith.divf %broadcast_in_dim3A_83, %div3A_85 : vector<2000x1xf32>
    %sub3A_87 = vector.broadcast %div3A_86 : vector<2000x1xf32> to vector<2000x256xf32>
    %sub3A_88 = arith.subf %add3A_80, %sub3A_87 : vector<2000x256xf32>
    %integer_pow3A = arith.mulf %sub3A_88, %sub3A_88 : vector<2000x256xf32>
    %reduce_sum3A_89 = arith.constant dense<0.000000e+00> : vector<2000xf32>
    %reduce_sum3A_90 = vector.multi_reduction <add>, %integer_pow3A, %reduce_sum3A_89 [1] : vector<2000x256xf32> to vector<2000xf32>
    %broadcast_in_dim3A_91 = vector.shape_cast %reduce_sum3A_90 : vector<2000xf32> to vector<2000x1xf32>
    %div3A_92 = arith.constant 2.560000e+02 : f32
    %div3A_93 = vector.broadcast %div3A_92 : f32 to vector<2000x1xf32>
    %div3A_94 = arith.divf %broadcast_in_dim3A_91, %div3A_93 : vector<2000x1xf32>
    %get3A_95 = arith.constant 0 : index
    %get3A_96 = arith.constant 0 : index
    %get3A_97 = vector.load %arg12[%get3A_95, %get3A_96] : memref<1x256xf32, #tpu.memory_space<vmem>>, vector<1x256xf32>
    %sub3A_98 = vector.broadcast %div3A_86 : vector<2000x1xf32> to vector<2000x256xf32>
    %sub3A_99 = arith.subf %add3A_80, %sub3A_98 : vector<2000x256xf32>
    %mul3A_100 = vector.broadcast %get3A_97 : vector<1x256xf32> to vector<2000x256xf32>
    %mul3A_101 = arith.mulf %mul3A_100, %sub3A_99 : vector<2000x256xf32>
    %add3A_102 = arith.constant 9.99999974E-6 : f32
    %add3A_103 = vector.broadcast %add3A_102 : f32 to vector<2000x1xf32>
    %add3A_104 = arith.addf %div3A_94, %add3A_103 : vector<2000x1xf32>
    %rsqrt3A = math.rsqrt %add3A_104 : vector<2000x1xf32>
    %mul3A_105 = vector.broadcast %rsqrt3A : vector<2000x1xf32> to vector<2000x256xf32>
    %mul3A_106 = arith.mulf %mul3A_101, %mul3A_105 : vector<2000x256xf32>
    %get3A_107 = arith.constant 0 : index
    %get3A_108 = arith.constant 0 : index
    %get3A_109 = vector.load %arg13[%get3A_107, %get3A_108] : memref<1x256xf32, #tpu.memory_space<vmem>>, vector<1x256xf32>
    %add3A_110 = vector.broadcast %get3A_109 : vector<1x256xf32> to vector<2000x256xf32>
    %add3A_111 = arith.addf %mul3A_106, %add3A_110 : vector<2000x256xf32>
    %swap3A = arith.constant 0 : index
    %swap3A_112 = arith.constant 0 : index
    %swap3A_113 = vector.load %arg14[%swap3A, %swap3A_112] : memref<2000x256xf32, #tpu.memory_space<vmem>>, vector<2000x256xf32>
    tpu.vector_store %arg14[%swap3A, %swap3A_112], %add3A_111 {strides = array<i32>} : memref<2000x256xf32, #tpu.memory_space<vmem>>, vector<2000x256xf32>,
    return
  }
  func.func @transform_0(%arg0: i32) -> (i32, i32) {
    %c0_i32 = arith.constant 0 : i32
    %c0_i32_0 = arith.constant 0 : i32
    return %arg0, %c0_i32 : i32, i32
  }
  func.func @transform_1(%arg0: i32) -> (i32, i32) {
    %c0_i32 = arith.constant 0 : i32
    %c0_i32_0 = arith.constant 0 : i32
    return %arg0, %c0_i32 : i32, i32
  }
  func.func @transform_2(%arg0: i32) -> (i32, i32) {
    %c0_i32 = arith.constant 0 : i32
    %c0_i32_0 = arith.constant 0 : i32
    return %arg0, %c0_i32 : i32, i32
  }
  func.func @transform_3(%arg0: i32) -> (i32, i32) {
    %c0_i32 = arith.constant 0 : i32
    %c0_i32_0 = arith.constant 0 : i32
    return %arg0, %c0_i32 : i32, i32
  }
  func.func @transform_4(%arg0: i32) -> (i32, i32) {
    %c0_i32 = arith.constant 0 : i32
    %c0_i32_0 = arith.constant 0 : i32
    %c0_i32_1 = arith.constant 0 : i32
    return %c0_i32, %c0_i32_0 : i32, i32
  }
  func.func @transform_5(%arg0: i32) -> (i32, i32) {
    %c0_i32 = arith.constant 0 : i32
    %c0_i32_0 = arith.constant 0 : i32
    %c0_i32_1 = arith.constant 0 : i32
    return %c0_i32, %c0_i32_0 : i32, i32
  }
  func.func @transform_6(%arg0: i32) -> (i32, i32) {
    %c0_i32 = arith.constant 0 : i32
    %c0_i32_0 = arith.constant 0 : i32
    %c0_i32_1 = arith.constant 0 : i32
    return %c0_i32, %c0_i32_0 : i32, i32
  }
  func.func @transform_7(%arg0: i32) -> (i32, i32) {
    %c0_i32 = arith.constant 0 : i32
    %c0_i32_0 = arith.constant 0 : i32
    %c0_i32_1 = arith.constant 0 : i32
    return %c0_i32, %c0_i32_0 : i32, i32
  }
  func.func @transform_8(%arg0: i32) -> (i32, i32) {
    %c0_i32 = arith.constant 0 : i32
    %c0_i32_0 = arith.constant 0 : i32
    %c0_i32_1 = arith.constant 0 : i32
    return %c0_i32, %c0_i32_0 : i32, i32
  }
  func.func @transform_9(%arg0: i32) -> (i32, i32) {
    %c0_i32 = arith.constant 0 : i32
    %c0_i32_0 = arith.constant 0 : i32
    %c0_i32_1 = arith.constant 0 : i32
    return %c0_i32, %c0_i32_0 : i32, i32
  }
  func.func @transform_10(%arg0: i32) -> (i32, i32) {
    %c0_i32 = arith.constant 0 : i32
    %c0_i32_0 = arith.constant 0 : i32
    %c0_i32_1 = arith.constant 0 : i32
    return %c0_i32, %c0_i32_0 : i32, i32
  }
  func.func @transform_11(%arg0: i32) -> (i32, i32) {
    %c0_i32 = arith.constant 0 : i32
    %c0_i32_0 = arith.constant 0 : i32
    %c0_i32_1 = arith.constant 0 : i32
    return %c0_i32, %c0_i32_0 : i32, i32
  }
  func.func @transform_12(%arg0: i32) -> (i32, i32) {
    %c0_i32 = arith.constant 0 : i32
    %c0_i32_0 = arith.constant 0 : i32
    %c0_i32_1 = arith.constant 0 : i32
    return %c0_i32, %c0_i32_0 : i32, i32
  }
  func.func @transform_13(%arg0: i32) -> (i32, i32) {
    %c0_i32 = arith.constant 0 : i32
    %c0_i32_0 = arith.constant 0 : i32
    return %arg0, %c0_i32 : i32, i32
  }
}

</mosaic_0001>

<sc_bundles>
// kernel: kernel.4.cloned.1.call-start
scs
__scs_entry_jumppad:
0x0: {  	(pc) =	sbr.rel $0x88, $3  }
0x1: {  	(tag) =	ssettag $0x0;
	lr =	simm.s32 $0x1  }
0x2: {  	[smem:$0x3F96] =	sst lr;
	_ =	strace $0xD0000000  }
0x3: {  	_ = 	snop  }
0x4: {  	_ = 	snop  }
0x5: {  	_ = 	snop  }
0x6: {  	_ = 	snop  }
0x7: {  	_ = 	snop  }
__scs_overlays_trampoline_lowered:
0x8: {  	[smem:$0x3FA5] =	sst s0  }
0x9: {  	[smem:$0x3FA6] =	sst s1  }
0xa: {  	[smem:$0x3FA7] =	sst s2  }
0xb: {  	[smem:$0x3FA8] =	sst s3  }
0xc: {  	[smem:$0x3FA9] =	sst s4  }
0xd: {  	[smem:$0x3FAA] =	sst s5  }
0xe: {  	[smem:$0x3FAB] =	sst s6  }
0xf: {  	[smem:$0x3FAC] =	sst s7  }
0x10: {  	[smem:$0x3FAD] =	sst s8  }
0x11: {  	[smem:$0x3FAE] =	sst s9;
	s0 =	simm.s32 @!p0 $0x0  }
0x12: {  	s1 =	sld [smem:$0x3F94];
	s0 =	simm.s32 @p0 $0x1  }
0x13: {  	[smem:$0x3FAF] =	sst s0;
	s0 =	simm.s32 @!p1 $0x0  }
0x14: {  	s2 =	sld [smem:$0x3F93];
	s0 =	simm.s32 @p1 $0x1  }
0x15: {  	[smem:$0x3FB0] =	sst s0;
	s0 =	simm.s32 @!p2 $0x0  }
0x16: {  	s3 =	sld [smem:$0x3FDB];
	s0 =	simm.s32 @p2 $0x1  }
0x17: {  	s4 =	simm.s32 $0x1BF5;
	[smem:$0x3FB2] =	sst s0  }
0x18: {  	s0 =	sld [smem:$0x3F95];
	_ =	swait.ge [sflag:s4], $0x0  }
0x19: {  	s7 =	sld [smem:$0x3F96]  }
0x1a: {  	s8 =	sadd.s32 $0xFFFFE003, lr  }
0x1b: {  	s9 =	sadd.s32 $0xFFFFFEF7, lr;
	s5 =	simm.s32 $0xFFFFFFFF;
	p2 =	slt.u32 s8, $0xFFFFF086  }
0x1c: {  	p1 =	slt.u32 s9, $0xF7A;
	s5 =	simm.s32 @!p2 $0x0  }
0x1d: {  	s5 =	simm.s32 @p1 $0x1;
	p0 =	seq.s32 s7, s2  }
0x1e: {  	s7 =	smul.u32 @!p0 $0xF7A, s2;
	p2 =	seq.s32 @!p0 s5, $0x0  }
0x1f: {  	s9 =	smul.u32 $0xF7A, s1;
	s8 =	simm.s32 @!p0 $0x1BF5;
	p2 =	por !p2, p0  }
0x20: {  	[sflag:s8] =	ssyncset.s32 @!p0 $0xFFFFF086;
	s6 =	sadd.s32 @!p0 s3, s7;
	s7 =	simm.s32 @!p0 $0x108  }
0x21: {  	s3 =	sadd.s32 s3, s9;
	s6 =	sadd.s32 @!p0 $0x88, s6;
	s7 =	simm.s32 @p2 $0x1082  }
0x22: {  	[simem:s7], [sflag:s8] =	dma.local @!p0 [hbm:s6], $0xF7A  }
0x23: {  	s9 =	sor.u32 $0xD0000000, s2;
	s6 =	simm.s32 $0x108;
	_ =	swait.ge @!p0 [sflag:s8], $0x0  }
0x24: {  	s3 =	sadd.s32 $0x88, s3;
	s6 =	simm.s32 @!p1 $0x1082;
	[sflag:s4] =	ssyncset.s32 $0xFFFFF086  }
0x25: {  	[simem:s6], [sflag:s4] =	dma.local [hbm:s3], $0xF7A  }
0x26: {  	[smem:$0x3F96] =	sst s1;
	(tag) =	ssettag s2;
	_ =	strace s9  }
0x27: {  	s1 =	sld [smem:$0x3FA6]  }
0x28: {  	s2 =	sld [smem:$0x3FA7]  }
0x29: {  	s4 =	sld [smem:$0x3FA9]  }
0x2a: {  	p0 =	seq.s32 s5, $0x0;
	s5 =	sld [smem:$0x3FAA]  }
0x2b: {  	s6 =	sld [smem:$0x3FAB]  }
0x2c: {  	s7 =	sld [smem:$0x3FAC]  }
0x2d: {  	s3 =	simm.s32 $0x108;
	s8 =	sld [smem:$0x3FAD]  }
0x2e: {  	s3 =	simm.s32 @!p0 $0x1082;
	s9 =	sld [smem:$0x3FAE]  }
0x2f: {  	lr =	sadd.s32 s0, s3;
	s0 =	sld [smem:$0x3FA5]  }
0x30: {  	s3 =	sld [smem:$0x3FA8]  }
0x31: {  	[smem:$0x3FB1] =	sst s10  }
0x32: {  	s10 =	sld [smem:$0x3FAF];
	_ =	sdelay $0x3  }
0x33: {  	p0 =	seq.s32 s10, $0x1;
	s10 =	sld [smem:$0x3FB1];
	_ =	sdelay $0x3  }
0x34: {  	[smem:$0x3FB1] =	sst s10  }
0x35: {  	s10 =	sld [smem:$0x3FB0];
	_ =	sdelay $0x3  }
0x36: {  	p1 =	seq.s32 s10, $0x1;
	s10 =	sld [smem:$0x3FB1];
	_ =	sdelay $0x3  }
0x37: {  	[smem:$0x3FB1] =	sst s10  }
0x38: {  	s10 =	sld [smem:$0x3FB2]  }
0x39: {  	_ = 	snop;
	(pc) =	sbr.ind lr, $3  }
0x3a: {  	_ = 	snop  }
0x3b: {  	_ = 	snop  }
0x3c: {  	p2 =	seq.s32 s10, $0x1;
	s10 =	sld [smem:$0x3FB1]  }
0x3d: {  	_ =	shalt  }
0x3e: {  	_ =	shalt  }
0x3f: {  	_ =	shalt  }
0x40: {  	_ =	shalt  }
0x41: {  	_ =	shalt  }
0x42: {  	_ =	shalt  }
0x43: {  	_ =	shalt  }
0x44: {  	_ =	shalt  }
0x45: {  	_ =	shalt  }
0x46: {  	_ =	shalt  }
0x47: {  	_ =	shalt  }
0x48: {  	_ =	shalt  }
0x49: {  	_ =	shalt  }
0x4a: {  	_ =	shalt  }
0x4b: {  	_ =	shalt  }
0x4c: {  	_ =	shalt  }
0x4d: {  	_ =	shalt  }
0x4e: {  	_ =	shalt  }
0x4f: {  	_ =	shalt  }
0x50: {  	_ =	shalt  }
0x51: {  	_ =	shalt  }
0x52: {  	_ =	shalt  }
0x53: {  	_ =	shalt  }
0x54: {  	_ =	shalt  }
0x55: {  	_ =	shalt  }
0x56: {  	_ =	shalt  }
0x57: {  	_ =	shalt  }
0x58: {  	_ =	shalt  }
0x59: {  	_ =	shalt  }
0x5a: {  	_ =	shalt  }
0x5b: {  	_ =	shalt  }
0x5c: {  	_ =	shalt  }
0x5d: {  	_ =	shalt  }
0x5e: {  	_ =	shalt  }
0x5f: {  	_ =	shalt  }
0x60: {  	_ =	shalt  }
0x61: {  	_ =	shalt  }
0x62: {  	_ =	shalt  }
0x63: {  	_ =	shalt  }
0x64: {  	_ =	shalt  }
0x65: {  	_ =	shalt  }
0x66: {  	_ =	shalt  }
0x67: {  	_ =	shalt  }
0x68: {  	_ =	shalt  }
0x69: {  	_ =	shalt  }
0x6a: {  	_ =	shalt  }
0x6b: {  	_ =	shalt  }
0x6c: {  	_ =	shalt  }
0x6d: {  	_ =	shalt  }
0x6e: {  	_ =	shalt  }
0x6f: {  	_ =	shalt  }
0x70: {  	_ =	shalt  }
0x71: {  	_ =	shalt  }
0x72: {  	_ =	shalt  }
0x73: {  	_ =	shalt  }
0x74: {  	_ =	shalt  }
0x75: {  	_ =	shalt  }
0x76: {  	_ =	shalt  }
0x77: {  	_ =	shalt  }
0x78: {  	_ =	shalt  }
0x79: {  	_ =	shalt  }
0x7a: {  	_ =	shalt  }
0x7b: {  	_ =	shalt  }
0x7c: {  	_ =	shalt  }
0x7d: {  	_ =	shalt  }
0x7e: {  	_ =	shalt  }
0x7f: {  	_ =	shalt  }
0x80: {  	_ =	shalt  }
0x81: {  	_ =	shalt  }
0x82: {  	_ =	shalt  }
0x83: {  	_ =	shalt  }
0x84: {  	_ =	shalt  }
0x85: {  	_ =	shalt  }
0x86: {  	_ =	shalt  }
0x87: {  	_ =	shalt  }
.Lfunc_end0:
.L_simem_size_0:
called_computation_lowered:
.L_overlay_start_0:
0x88: {  	s2 =	sld [smem:$0x3FD9]  }
0x89: {  	s3 =	sld [smem:$0x3FFE];
	_ =	sdelay $0x1  }
0x8a: {  	s1 =	srdreg.scid  }
0x8b: {  	s0 =	sand.u32 $0x1, s1  }
0x8c: {  	s17 =	sshll.u32 s0, $0xA;
	s2 =	sadd.s32 s3, s2  }
0x8d: {  	s2 =	sadd.s32 s2, s17  }
0x8e: {  	[smem:$0x3FBD] =	sst s2  }
0x8f: {  	_ = 	snop  }
0x90: {  	s2 =	sld [smem:$0x3FC7]  }
0x91: {  	s18 =	sld [smem:$0x3FD0];
	(tm) =	ssettm $0x1  }
0x92: {  	s4 =	sld [smem:$0x3FFB];
	_ =	sdelay $0x3  }
0x93: {  	_ =	strace s4  }
0x94: {  	s4 =	sld [smem:$0x3FFC];
	_ =	sdelay $0x3  }
0x95: {  	_ =	strace s4  }
0x96: {  	s4 =	sld [smem:$0x3FFD];
	_ =	sdelay $0x3  }
0x97: {  	_ =	strace s4  }
0x98: {  	_ =	strace $0x8FFFFFFF  }
0x99: {  	s19 =	sld [smem:$0x3FDB];
	_ =	sdelay $0x1  }
0x9a: {  	s5 =	simm.s32 $_scs_section_size  }
0x9b: {  	s6 =	simm.s32 $_size__tile_overlayer_lowered;
	s7 =	simm.s32 $_tile_overlayer_lowered  }
0x9c: {  	s22 =	simm.s32 $0x1BFF;
	s21 =	sshll.u32 s7, $0x1;
	s4 =	sadd.s32 s5, s19  }
0x9d: {  	s8 =	simm.s32 $0x0;
	s20 =	sshll.u32 s6, $0x1;
	s6 =	sadd.s32 s21, s4  }
0x9e: {  	[timem:s8], [sflag:s22] =	dma.local [hbm:s6], s20  }
0x9f: {  	_ =	swait.ge [sflag:s22], s20  }
0xa0: {  	s5 =	ssub.s32 $0x0, s20;
	[sflag:s22] =	ssyncset.done $0x0  }
0xa1: {  	[sflag:s22] =	ssyncadd.s32 s5;
	_ =	sdelay $0x1  }
0xa2: {  	s23 =	simm.s32 $0x1B8B  }
0xa3: {  	_ =	swait.ge [sflag:s23], $0x1  }
0xa4: {  	[sflag:s23] =	ssyncset.done $0x0  }
0xa5: {  	s25 =	simm.s32 $0x1B8E;
	s24 =	sld [smem:$0x3FFE];
	[sflag:s23] =	ssyncadd.s32 $0xFFFFFFFF  }
0xa6: {  	s26 =	simm.s32 $execute0_lowered;
	[smem:$0x3FD2] =	sst s25  }
0xa7: {  	s6 =	sshll.u32 s26, $0x1;
	_ =	strace $0x80000046;
	[dreg:$0x1] =	wrdreg $0xFFFFFFFF  }
0xa8: {  	s28 =	simm.s32 $_size_execute0_lowered;
	s4 =	sadd.s32 s4, s6;
	[dreg:$0x0] =	wrdreg $0x0  }
0xa9: {  	s6 =	sshll.u32 s28, $0x1;
	[dreg:$0x2] =	wrdreg s4  }
0xaa: {  	[dreg:$0x3] =	wrdreg s6  }
0xab: {  	[dreg:$0x4] =	wrdreg $0xC0  }
0xac: {  	_ =	task [dreg:s8], $0x5FFFF  }
0xad: {  	[dreg:$0x1] =	wrdreg $0xFFFFFFFF  }
0xae: {  	[dreg:$0x0] =	wrdreg $0x60  }
0xaf: {  	[dreg:$0x2] =	wrdreg s2  }
0xb0: {  	[dreg:$0x3] =	wrdreg s24  }
0xb1: {  	[dreg:$0x4] =	wrdreg s18  }
0xb2: {  	[dreg:$0x5] =	wrdreg $0xB7800  }
0xb3: {  	[dreg:$0x6] =	wrdreg $0x9  }
0xb4: {  	_ =	task.clear_ibuf [dreg:s8], $0x7FFFF;
	_ =	strace $0x90000046  }
0xb5: {  	s29 =	simm.s32 $0x9;
	_ =	strace $0x80000048  }
0xb6: {  	_ =	swait.ge [sflag:s29], $0x1  }
0xb7: {  	[sflag:s29] =	ssyncadd.s32 $0xFFFFFFFF  }
0xb8: {  	_ =	strace $0x90000048  }
0xb9: {  	_ =	sfence  }
0xba: {  	s30 =	sld [smem:$0x0];
	_ =	sdelay $0x2  }
0xbb: {  	s31 =	sshll.u32 s1, $0xD;
	s1 =	sshrl.u32 s1, $0x2  }
0xbc: {  	s3 =	sand.u32 $0x4000, s31;
	s1 =	sadd.s32 s1, s30  }
0xbd: {  	s0 =	sor.u32 s3, s0;
	s1 =	sshll.u32 s1, $0x11  }
0xbe: {  	s0 =	sor.u32 s1, s0  }
0xbf: {  	s0 =	sadd.s32 $0x8F2B, s0  }
0xc0: {  	[sflag:s0] =	ssyncadd.remote.s32 $0x1  }
0xc1: {  	_ =	sfence.sel $0xFFFF  }
0xc2: {  	[dreg:$0x0] =	wrdreg $0xFFFFFFFF;
	(pc) =	sbr.abs _section_cstart, $3  }
0xc3: {  	[dreg:$0x1] =	wrdreg $0xFFFFFFFF  }
0xc4: {  	_ =	task.clear_ibuf [dreg:s8], $0x2FFFF;
	_ =	strace $0x9FFFFFFF  }
0xc5: {  	(tm) =	ssettm $0x7FFFFFFF  }
tec
execute0_lowered:
.L_overlay_start_1:
0x0: {  	(tag) =	ssettag $0x1  }
0x1: {  	s1 =	rddreg [dreg:$0x0]  }
0x2: {  	s0 =	rddreg [dreg:$0x1]  }
0x3: {  	s18 =	rddreg [dreg:$0x2]  }
0x4: {  	s4 =	rddreg [dreg:$0x3];
	s5 =	simm.s32 $0x0;
	s19 =	stileid.u32  }
0x5: {  	s7 =	srdreg.scid;
	s31 =	simm.s32 $0x4000;
	[smem:$0x7FF] =	sst s5  }
0x6: {  	s2 =	sshrl.u32 s19, $0x3;
	s3 =	sshll.u32 s19, $0xB;
	s15 =	smul.u32 $0x271000, s19  }
0x7: {  	s6 =	sshll.u32 s19, $0x7;
	s8 =	sadd.s32 $0x9A00, s0;
	s17 =	smul.u32 $0x280, s19  }
0x8: {  	s10 =	smul.u32 $0x50000, s19;
	p1 =	seq.s32 s19, $0xF;
	_ =	strace $0x80000047  }
0x9: {  	s2 =	smul.u32 $0x13C00, s2;
	s3 =	sadd.s32 s3, s0;
	s6 =	sand.u32 $0x380, s6  }
0xa: {  	[dreg:$0x5] =	wrdreg s8;
	s3 =	sadd.s32 $0x1A00, s3;
	s22 =	sshrl.u32 s10, $0x2  }
0xb: {  	s23 =	sshll.u32 s17, $0x7;
	s10 =	simm.s32 $0x2;
	s2 =	sor.u32 s6, s2  }
0xc: {  	s6 =	sand.u32 $0x1, s7;
	[dreg:$0x6] =	wrdreg s3;
	s12 =	sadd.s32 s22, s4  }
0xd: {  	s24 =	sor.u32 $0x2800, s23;
	s25 =	sadd.s32 $0x5000, s23;
	s26 =	sadd.s32 $0x7800, s23  }
0xe: {  	s11 =	sadd.s32 $0xA000, s23;
	s2 =	sshrl.u32 s2, $0x3;
	s7 =	ssub.s32 $0x2, s6  }
0xf: {  	s9 =	sshll.u32 s6, $0xA;
	s13 =	sadd.s32 s24, s4;
	s14 =	sadd.s32 s25, s4  }
0x10: {  	p0 =	sne.s32 s6, $0x0;
	s0 =	sadd.s32 s2, s0;
	s16 =	sshrl.u32 s7, $0x1  }
0x11: {  	s8 =	sor.u32 s9, s15;
	s9 =	smul.u32 $0x138800, s6;
	s15 =	sadd.s32 $0x1E0, s17  }
0x12: {  	s2 =	ssub.s32 s7, s16;
	s20 =	sshrl.u32 s8, $0x3;
	s0 =	sadd.s32 $0xA000, s0  }
0x13: {  	s16 =	sshll.u32 s15, $0x7;
	s7 =	sadd.s32 $0x230, s17;
	s17 =	smul.u32 $0x14000, s19  }
0x14: {  	s19 =	sadd.s32 $0xA000, s8;
	s15 =	simm.s32 @p1 $0x2760;
	s3 =	sadd.s32 s1, s20  }
0x15: {  	[dreg:$0x8] =	wrdreg s0;
	s21 =	smax.u32 s2, $0x1;
	s2 =	sadd.s32 $0xC800, s23  }
0x16: {  	s16 =	sadd.s32 s16, s4;
	s0 =	sadd.s32 s9, s24;
	[dreg:$0x7] =	wrdreg s3  }
0x17: {  	s22 =	sadd.s32 s9, s26;
	s23 =	sadd.s32 s9, s11;
	[dreg:$0x9] =	wrdreg s21  }
0x18: {  	s29 =	sshll.u32 @!p1 s15, $0x7;
	s15 =	simm.s32 $0x0;
	[dreg:$0xa] =	wrdreg s16  }
0x19: {  	s16 =	sshll.u32 s7, $0x7;
	s20 =	sadd.s32 s9, s17;
	s0 =	sshrl.u32 s0, $0x3  }
0x1a: {  	s3 =	sadd.s32 s9, s25;
	s7 =	simm.s32 @p1 $0x27B0;
	s6 =	sadd.s32 s16, s4  }
0x1b: {  	s0 =	sadd.s32 s18, s0;
	s21 =	sshrl.u32 s3, $0x3;
	s3 =	sshrl.u32 s23, $0x3  }
0x1c: {  	s30 =	sshll.u32 @!p1 s7, $0x7;
	s7 =	simm.s32 $0x1;
	[dreg:$0xb] =	wrdreg s6  }
0x1d: {  	s6 =	sshrl.u32 s20, $0x3;
	[dreg:$0xd] =	wrdreg s0;
	s0 =	sadd.s32 s18, s21  }
0x1e: {  	s20 =	sadd.s32 s26, s4;
	s21 =	sadd.s32 s11, s4;
	s24 =	sadd.s32 s18, s3  }
0x1f: {  	s26 =	sadd.s32 $0x5000, s8;
	s3 =	simm.s32 $0x400;
	s8 =	simm.s32 $0x50  }
0x20: {  	s6 =	sadd.s32 s18, s6;
	[dreg:$0xe] =	wrdreg s0;
	s0 =	sshrl.u32 s22, $0x3  }
0x21: {  	s22 =	sadd.s32 s2, s4;
	s2 =	sadd.s32 s9, s2;
	[dreg:$0x10] =	wrdreg s24  }
0x22: {  	[dreg:$0xc] =	wrdreg s6;
	s0 =	sadd.s32 s18, s0;
	s25 =	sshrl.u32 s2, $0x3  }
0x23: {  	s11 =	simm.s32 $0x4;
	[dreg:$0xf] =	wrdreg s0;
	s0 =	sadd.s32 s18, s25  }
0x24: {  	s6 =	simm.s32 $0x800;
	[dreg:$0x11] =	wrdreg s0;
	s0 =	sshrl.u32 s26, $0x3  }
0x25: {  	v0 =	vimm.f32 $0.0e+00;
	s2 =	simm.s32 $0x6800;
	s28 =	sadd.s32 s0, s1;
	s0 =	simm.s32 $0x3  }
.LBB2_1:
0x26: {  	s16 =	rddreg [dreg:$0x5]  }
0x27: {  	[tilespmem:s31], [sflag:$0x3] =	stream.linear.gather [hbm4b:s16+s5], $0x2800, $0x38;
	[tilespmem:$0x1F000] =	vst v63  }
0x28: {  	_ =	swait.ge [sflag:s0], $0x2800  }
0x29: {  	[sflag:s0] =	ssyncset.done $0x0  }
0x2a: {  	[sflag:s0] =	ssyncadd.s32 $0xFFFFD800  }
0x2b: {  	[spmem:s12] =	stream.linear.scatter [tilespmem:s31], [sflag:$0x3], $0x2800, $0x38;
	[tilespmem:$0x1F000] =	vst v63  }
0x2c: {  	_ =	swait.ge [sflag:s0], $0x2800  }
0x2d: {  	[sflag:s0] =	ssyncset.done $0x0  }
0x2e: {  	[sflag:s0] =	ssyncadd.s32 $0xFFFFD800  }
0x2f: {  	[spmem:s13] =	stream.linear.scatter [tilespmem:s31], [sflag:$0x3], $0x2800, $0x38;
	[tilespmem:$0x1F000] =	vst v63  }
0x30: {  	_ =	swait.ge [sflag:s0], $0x2800  }
0x31: {  	[sflag:s0] =	ssyncset.done $0x0  }
0x32: {  	[sflag:s0] =	ssyncadd.s32 $0xFFFFD800  }
0x33: {  	[spmem:s14] =	stream.linear.scatter [tilespmem:s31], [sflag:$0x3], $0x2800, $0x38;
	[tilespmem:$0x1F000] =	vst v63  }
0x34: {  	_ =	swait.ge [sflag:s0], $0x2800  }
0x35: {  	[sflag:s0] =	ssyncset.done $0x0  }
0x36: {  	[sflag:s0] =	ssyncadd.s32 $0xFFFFD800  }
0x37: {  	[spmem:s20] =	stream.linear.scatter [tilespmem:s31], [sflag:$0x3], $0x2800, $0x38;
	[tilespmem:$0x1F000] =	vst v63  }
0x38: {  	_ =	swait.ge [sflag:s0], $0x2800  }
0x39: {  	[sflag:s0] =	ssyncset.done $0x0  }
0x3a: {  	[sflag:s0] =	ssyncadd.s32 $0xFFFFD800  }
0x3b: {  	[spmem:s21] =	stream.linear.scatter [tilespmem:s31], [sflag:$0x3], $0x2800, $0x38;
	[tilespmem:$0x1F000] =	vst v63  }
0x3c: {  	_ =	swait.ge [sflag:s0], $0x2800  }
0x3d: {  	[sflag:s0] =	ssyncset.done $0x0  }
0x3e: {  	s17 =	simm.s32 @!p1 $0x3;
	s16 =	simm.s32 @!p1 $0x4000;
	[sflag:s0] =	ssyncadd.s32 $0xFFFFD800  }
0x3f: {  	[spmem:s22] =	stream.linear.scatter @!p1 [tilespmem:s16], [sflag:$0x3], $0x2800, $0x38;
	[tilespmem:$0x1F000] =	vst v63  }
0x40: {  	_ =	swait.ge @!p1 [sflag:s17], $0x2800  }
0x41: {  	[sflag:s17] =	ssyncset.done @!p1 $0x0  }
0x42: {  	s18 =	rddreg [dreg:$0xa];
	[sflag:s17] =	ssyncadd.s32 @!p1 $0xFFFFD800  }
0x43: {  	[spmem:s18] =	stream.linear.scatter @!p1 [tilespmem:s16], [sflag:$0x3], $0x2800, $0x38;
	[tilespmem:$0x1F000] =	vst v63  }
0x44: {  	_ =	swait.ge @!p1 [sflag:s17], $0x2800  }
0x45: {  	[sflag:s17] =	ssyncset.done @!p1 $0x0  }
0x46: {  	s18 =	rddreg [dreg:$0xb];
	[sflag:s17] =	ssyncadd.s32 @!p1 $0xFFFFD800  }
0x47: {  	[spmem:s18] =	stream.linear.scatter @!p1 [tilespmem:s16], [sflag:$0x3], $0x2800, $0x38;
	[tilespmem:$0x1F000] =	vst v63  }
0x48: {  	_ =	swait.ge @!p1 [sflag:s17], $0x2800  }
0x49: {  	[sflag:s17] =	ssyncset.done @!p1 $0x0  }
0x4a: {  	s16 =	simm.s32 $0x40;
	[sflag:s17] =	ssyncadd.s32 @!p1 $0xFFFFD800;
	s17 =	simm.s32 $0x0  }
.LBB2_2:
0x4b: {  	p2 =	sne.s32 s16, $0x9C00;
	[tilespmem:s17+$0x9000] =	vst v0;
	s17 =	smov.u32 s16;
	s16 =	sadd.s32 $0x40, s16  }
.Ltmp0:
0x4c: {  	(pc) =	sbr.rel @p2 .LBB2_2-.Ltmp0, $2  }
0x4d: {  	_ =	sdelay $0x2  }
0x4e: {  	s17 =	sshra.s32 s17, $0x2  }
0x4f: {  	[tilespmem:s17+$0x9000] =	vst v0;
	s17 =	simm.s32 $0x0;
	s16 =	rddreg [dreg:$0x6]  }
0x50: {  	[tilespmem:s17], [sflag:$0x3] =	stream.linear.gather [hbm4b:s16+s17], $0x3E80, $0x38;
	[tilespmem:$0x1F000] =	vst v63  }
0x51: {  	_ =	swait.ge [sflag:s0], $0x3E80  }
0x52: {  	[sflag:s0] =	ssyncset.done $0x0  }
0x53: {  	[sflag:s0] =	ssyncadd.s32 $0xFFFFC180  }
0x54: {  	[bflag:$0x0] =	sbarrier.arrive $0xFFFF  }
0x55: {  	s26 =	rddreg [dreg:$0x7]  }
0x56: {  	[tilespmem:s31], [sflag:$0x1] =	stream.strided.gather [hbm4b:s26+s3], $0x2800, s6, s3, $0x38;
	[tilespmem:$0x1F000] =	vst v63  }
0x57: {  	s18 =	simm.s32 $0x80;
	s26 =	smov.u32 s19  }
.LBB2_4:
0x58: {  	s16 =	sadd.s32 s17, s28  }
0x59: {  	[tilespmem:s2], [sflag:$0x2] =	stream.strided.gather [hbm4b:s16+s3], $0x2800, s6, s3, $0x38;
	[tilespmem:$0x1F000] =	vst v63  }
0x5a: {  	_ =	swait.ge [sflag:s7], $0x2800  }
0x5b: {  	[sflag:s7] =	ssyncset.done $0x0  }
0x5c: {  	s25 =	sadd.s32 $0xFFFFFF80, s18;
	[sflag:s7] =	ssyncadd.s32 $0xFFFFD800  }
0x5d: {  	[spmem:s4] =	stream.indirect.scatter.add.f32 [tilespmem:s31], [sflag:$0x3], $0x80, s25, s8, $0xb8;
	[tilespmem:$0x1F000] =	vst v63  }
0x5e: {  	_ =	swait.ge [sflag:s0], $0x2800  }
0x5f: {  	[sflag:s0] =	ssyncset.done $0x0  }
0x60: {  	[sflag:s0] =	ssyncadd.s32 $0xFFFFD800  }
0x61: {  	v2 =	vld @!p0 [tilespmem:s18+$0xFFFFFF80];
	_ =	sdelay $0x6  }
0x62: {  	v1 =	vimm.f32 @!p0 $1.000000000e+00;
	s16 =	simm.s32 @!p0 $0x9000  }
0x63: {  	[tilespmem:v2+s16+$0x0] =	vst.idx.add.f32.msk @!p0 $0xffff, v1  }
0x64: {  	v2 =	vld @!p0 [tilespmem:s18+$0xFFFFFF90];
	_ =	sdelay $0x7  }
0x65: {  	[tilespmem:v2+s16+$0x0] =	vst.idx.add.f32.msk @!p0 $0xffff, v1  }
0x66: {  	v2 =	vld @!p0 [tilespmem:s18+$0xFFFFFFA0];
	_ =	sdelay $0x7  }
0x67: {  	[tilespmem:v2+s16+$0x0] =	vst.idx.add.f32.msk @!p0 $0xffff, v1  }
0x68: {  	v2 =	vld @!p0 [tilespmem:s18+$0xFFFFFFB0];
	_ =	sdelay $0x7  }
0x69: {  	[tilespmem:v2+s16+$0x0] =	vst.idx.add.f32.msk @!p0 $0xffff, v1  }
0x6a: {  	v2 =	vld @!p0 [tilespmem:s18+$0xFFFFFFC0];
	_ =	sdelay $0x6  }
0x6b: {  	s23 =	sshrl.u32 s26, $0x3  }
0x6c: {  	s23 =	sadd.s32 s1, s23;
	[tilespmem:v2+s16+$0x0] =	vst.idx.add.f32.msk @!p0 $0xffff, v1  }
0x6d: {  	[tilespmem:s31], [sflag:$0x1] =	stream.strided.gather [hbm4b:s23+s3], $0x2800, s6, s3, $0x38;
	[tilespmem:$0x1F000] =	vst v63  }
0x6e: {  	_ =	swait.ge [sflag:s10], $0x2800  }
0x6f: {  	[sflag:s10] =	ssyncset.done $0x0  }
0x70: {  	[sflag:s10] =	ssyncadd.s32 $0xFFFFD800  }
0x71: {  	[spmem:s4] =	stream.indirect.scatter.add.f32 [tilespmem:s2], [sflag:$0x3], $0x80, s18, s8, $0xb8;
	[tilespmem:$0x1F000] =	vst v63  }
0x72: {  	_ =	swait.ge [sflag:s0], $0x2800  }
0x73: {  	[sflag:s0] =	ssyncset.done $0x0  }
0x74: {  	[sflag:s0] =	ssyncadd.s32 $0xFFFFD800  }
0x75: {  	v2 =	vld @!p0 [tilespmem:s18+$0x0];
	_ =	sdelay $0x7  }
0x76: {  	[tilespmem:v2+s16+$0x0] =	vst.idx.add.f32.msk @!p0 $0xffff, v1  }
0x77: {  	v2 =	vld @!p0 [tilespmem:s18+$0x10];
	_ =	sdelay $0x7  }
0x78: {  	[tilespmem:v2+s16+$0x0] =	vst.idx.add.f32.msk @!p0 $0xffff, v1  }
0x79: {  	v2 =	vld @!p0 [tilespmem:s18+$0x20];
	_ =	sdelay $0x7  }
0x7a: {  	[tilespmem:v2+s16+$0x0] =	vst.idx.add.f32.msk @!p0 $0xffff, v1  }
0x7b: {  	v2 =	vld @!p0 [tilespmem:s18+$0x30];
	_ =	sdelay $0x7  }
0x7c: {  	[tilespmem:v2+s16+$0x0] =	vst.idx.add.f32.msk @!p0 $0xffff, v1  }
0x7d: {  	v2 =	vld @!p0 [tilespmem:s18+$0x40];
	_ =	sdelay $0x1  }
0x7e: {  	s17 =	sadd.s32 $0x1400, s17  }
0x7f: {  	p2 =	sne.s32 s17, $0x4D800  }
.Ltmp1:
0x80: {  	_ = 	snop;
	(pc) =	sbr.rel @p2 .LBB2_4-.Ltmp1, $2  }
0x81: {  	_ =	sdelay $0x2  }
0x82: {  	s26 =	sadd.s32 $0xA000, s26;
	s18 =	sadd.s32 $0x100, s18;
	[tilespmem:v2+s16+$0x0] =	vst.idx.add.f32.msk @!p0 $0xffff, v1  }
0x83: {  	_ =	swait.ge [sflag:s7], $0x2800  }
0x84: {  	[sflag:s7] =	ssyncset.done $0x0  }
0x85: {  	s17 =	simm.s32 $0x3E00;
	[sflag:s7] =	ssyncadd.s32 $0xFFFFD800  }
0x86: {  	[spmem:s4] =	stream.indirect.scatter.add.f32 [tilespmem:s31], [sflag:$0x3], $0x80, s17, s8, $0xb8;
	[tilespmem:$0x1F000] =	vst v63  }
0x87: {  	_ =	swait.ge [sflag:s0], $0x2800  }
0x88: {  	[sflag:s0] =	ssyncset.done $0x0  }
0x89: {  	[sflag:s0] =	ssyncadd.s32 $0xFFFFD800  }
0x8a: {  	v2 =	vld @!p0 [tilespmem:$0x3E00];
	_ =	sdelay $0x7  }
0x8b: {  	[tilespmem:v2+s16+$0x0] =	vst.idx.add.f32.msk @!p0 $0xffff, v1  }
0x8c: {  	v2 =	vld @!p0 [tilespmem:$0x3E10];
	_ =	sdelay $0x7  }
0x8d: {  	[tilespmem:v2+s16+$0x0] =	vst.idx.add.f32.msk @!p0 $0xffff, v1  }
0x8e: {  	v2 =	vld @!p0 [tilespmem:$0x3E20];
	_ =	sdelay $0x7  }
0x8f: {  	[tilespmem:v2+s16+$0x0] =	vst.idx.add.f32.msk @!p0 $0xffff, v1  }
0x90: {  	v2 =	vld @!p0 [tilespmem:$0x3E30];
	_ =	sdelay $0x7  }
0x91: {  	[tilespmem:v2+s16+$0x0] =	vst.idx.add.f32.msk @!p0 $0xffff, v1  }
0x92: {  	v2 =	vld @!p0 [tilespmem:$0x3E40];
	_ =	sdelay $0x7  }
0x93: {  	[tilespmem:v2+s16+$0x0] =	vst.idx.add.f32.msk @!p0 $0xffff, v1  }
0x94: {  	[bflag:$0x0] =	sbarrier.arrive $0xFFFF  }
0x95: {  	[tilespmem:s31], [sflag:$0x4] =	stream.linear.gather [spmem:s12], $0x2800, $0x38;
	[tilespmem:$0x1F000] =	vst v63  }
0x96: {  	_ =	swait.ge [sflag:s11], $0x2800  }
0x97: {  	[sflag:s11] =	ssyncset.done $0x0  }
0x98: {  	s26 =	rddreg [dreg:$0xc];
	[sflag:s11] =	ssyncadd.s32 $0xFFFFD800  }
0x99: {  	[hbm4b:s26+s5] =	stream.linear.scatter [tilespmem:s31], [sflag:$0x3], $0x2800, $0x38;
	[tilespmem:$0x1F000] =	vst v63  }
0x9a: {  	_ =	swait.ge [sflag:s0], $0x2800  }
0x9b: {  	[sflag:s0] =	ssyncset.done $0x0  }
0x9c: {  	[sflag:s0] =	ssyncadd.s32 $0xFFFFD800  }
0x9d: {  	[tilespmem:s31], [sflag:$0x4] =	stream.linear.gather [spmem:s13], $0x2800, $0x38;
	[tilespmem:$0x1F000] =	vst v63  }
0x9e: {  	_ =	swait.ge [sflag:s11], $0x2800  }
0x9f: {  	[sflag:s11] =	ssyncset.done $0x0  }
0xa0: {  	s18 =	rddreg [dreg:$0xd];
	[sflag:s11] =	ssyncadd.s32 $0xFFFFD800  }
0xa1: {  	[hbm4b:s18+s5] =	stream.linear.scatter [tilespmem:s31], [sflag:$0x3], $0x2800, $0x38;
	[tilespmem:$0x1F000] =	vst v63  }
0xa2: {  	_ =	swait.ge [sflag:s0], $0x2800  }
0xa3: {  	[sflag:s0] =	ssyncset.done $0x0  }
0xa4: {  	[sflag:s0] =	ssyncadd.s32 $0xFFFFD800  }
0xa5: {  	[tilespmem:s31], [sflag:$0x4] =	stream.linear.gather [spmem:s14], $0x2800, $0x38;
	[tilespmem:$0x1F000] =	vst v63  }
0xa6: {  	_ =	swait.ge [sflag:s11], $0x2800  }
0xa7: {  	[sflag:s11] =	ssyncset.done $0x0  }
0xa8: {  	s23 =	rddreg [dreg:$0xe];
	[sflag:s11] =	ssyncadd.s32 $0xFFFFD800  }
0xa9: {  	[hbm4b:s23+s5] =	stream.linear.scatter [tilespmem:s31], [sflag:$0x3], $0x2800, $0x38;
	[tilespmem:$0x1F000] =	vst v63  }
0xaa: {  	_ =	swait.ge [sflag:s0], $0x2800  }
0xab: {  	[sflag:s0] =	ssyncset.done $0x0  }
0xac: {  	[sflag:s0] =	ssyncadd.s32 $0xFFFFD800  }
0xad: {  	[tilespmem:s31], [sflag:$0x4] =	stream.linear.gather [spmem:s20], $0x2800, $0x38;
	[tilespmem:$0x1F000] =	vst v63  }
0xae: {  	_ =	swait.ge [sflag:s11], $0x2800  }
0xaf: {  	[sflag:s11] =	ssyncset.done $0x0  }
0xb0: {  	s24 =	rddreg [dreg:$0xf];
	[sflag:s11] =	ssyncadd.s32 $0xFFFFD800  }
0xb1: {  	[hbm4b:s24+s5] =	stream.linear.scatter [tilespmem:s31], [sflag:$0x3], $0x2800, $0x38;
	[tilespmem:$0x1F000] =	vst v63  }
0xb2: {  	_ =	swait.ge [sflag:s0], $0x2800  }
0xb3: {  	[sflag:s0] =	ssyncset.done $0x0  }
0xb4: {  	[sflag:s0] =	ssyncadd.s32 $0xFFFFD800  }
0xb5: {  	[tilespmem:s31], [sflag:$0x4] =	stream.linear.gather [spmem:s21], $0x2800, $0x38;
	[tilespmem:$0x1F000] =	vst v63  }
0xb6: {  	_ =	swait.ge [sflag:s11], $0x2800  }
0xb7: {  	[sflag:s11] =	ssyncset.done $0x0  }
0xb8: {  	s25 =	rddreg [dreg:$0x10];
	[sflag:s11] =	ssyncadd.s32 $0xFFFFD800  }
0xb9: {  	[hbm4b:s25+s5] =	stream.linear.scatter [tilespmem:s31], [sflag:$0x3], $0x2800, $0x38;
	[tilespmem:$0x1F000] =	vst v63  }
0xba: {  	_ =	swait.ge [sflag:s0], $0x2800  }
0xbb: {  	[sflag:s0] =	ssyncset.done $0x0  }
0xbc: {  	s17 =	simm.s32 @!p1 $0x4000;
	s18 =	simm.s32 @!p1 $0x4;
	[sflag:s0] =	ssyncadd.s32 $0xFFFFD800  }
0xbd: {  	[tilespmem:s17], [sflag:$0x4] =	stream.linear.gather @!p1 [spmem:s22], $0x2800, $0x38;
	[tilespmem:$0x1F000] =	vst v63  }
0xbe: {  	_ =	swait.ge @!p1 [sflag:s18], $0x2800  }
0xbf: {  	s26 =	simm.s32 @!p1 $0x3;
	[sflag:s18] =	ssyncset.done @!p1 $0x0  }
0xc0: {  	s23 =	simm.s32 @!p1 $0x0;
	s24 =	rddreg [dreg:$0x11];
	[sflag:s18] =	ssyncadd.s32 @!p1 $0xFFFFD800  }
0xc1: {  	[hbm4b:s24+s23] =	stream.linear.scatter @!p1 [tilespmem:s17], [sflag:$0x3], $0x2800, $0x38;
	[tilespmem:$0x1F000] =	vst v63  }
0xc2: {  	_ =	swait.ge @!p1 [sflag:s26], $0x2800  }
0xc3: {  	[sflag:s26] =	ssyncset.done @!p1 $0x0  }
0xc4: {  	s24 =	sadd.s32 @!p1 s29, s4;
	[sflag:s26] =	ssyncadd.s32 @!p1 $0xFFFFD800  }
0xc5: {  	[tilespmem:s17], [sflag:$0x4] =	stream.linear.gather @!p1 [spmem:s24], $0x2800, $0x38;
	[tilespmem:$0x1F000] =	vst v63  }
0xc6: {  	_ =	swait.ge @!p1 [sflag:s18], $0x2800  }
0xc7: {  	[sflag:s18] =	ssyncset.done @!p1 $0x0  }
0xc8: {  	s24 =	sadd.s32 @!p1 s9, s29;
	[sflag:s18] =	ssyncadd.s32 @!p1 $0xFFFFD800  }
0xc9: {  	s24 =	sshrl.u32 @!p1 s24, $0x3;
	s25 =	rddreg [dreg:$0x2]  }
0xca: {  	s24 =	sadd.s32 @!p1 s25, s24  }
0xcb: {  	[hbm4b:s24+s23] =	stream.linear.scatter @!p1 [tilespmem:s17], [sflag:$0x3], $0x2800, $0x38;
	[tilespmem:$0x1F000] =	vst v63  }
0xcc: {  	_ =	swait.ge @!p1 [sflag:s26], $0x2800  }
0xcd: {  	[sflag:s26] =	ssyncset.done @!p1 $0x0  }
0xce: {  	s24 =	sadd.s32 @!p1 s30, s4;
	[sflag:s26] =	ssyncadd.s32 @!p1 $0xFFFFD800  }
0xcf: {  	[tilespmem:s17], [sflag:$0x4] =	stream.linear.gather @!p1 [spmem:s24], $0x2800, $0x38;
	[tilespmem:$0x1F000] =	vst v63  }
0xd0: {  	s24 =	sadd.s32 @!p1 s9, s30;
	_ =	swait.ge @!p1 [sflag:s18], $0x2800  }
0xd1: {  	s24 =	sshrl.u32 @!p1 s24, $0x3;
	[sflag:s18] =	ssyncset.done @!p1 $0x0  }
0xd2: {  	[sflag:s18] =	ssyncadd.s32 @!p1 $0xFFFFD800;
	s18 =	sadd.s32 @!p1 s25, s24  }
0xd3: {  	[hbm4b:s18+s23] =	stream.linear.scatter @!p1 [tilespmem:s17], [sflag:$0x3], $0x2800, $0x38;
	[tilespmem:$0x1F000] =	vst v63  }
0xd4: {  	_ =	swait.ge @!p1 [sflag:s26], $0x2800  }
0xd5: {  	s17 =	simm.s32 @!p0 $0x80;
	[sflag:s26] =	ssyncset.done @!p1 $0x0  }
0xd6: {  	s18 =	simm.s32 @!p0 $0x400;
	s23 =	rddreg [dreg:$0x8];
	[sflag:s26] =	ssyncadd.s32 @!p1 $0xFFFFD800  }
0xd7: {  	[hbm4b:s23+s17] =	stream.strided.scatter @!p0 [tilespmem:s16], [sflag:$0x3], $0x2780, s18, s17, $0x38;
	[tilespmem:$0x1F000] =	vst v63  }
0xd8: {  	s16 =	simm.s32 @!p0 $0x3  }
0xd9: {  	_ =	swait.ge @!p0 [sflag:s16], $0x2780  }
0xda: {  	s15 =	sadd.s32 $0x1, s15;
	s26 =	rddreg [dreg:$0x9]  }
0xdb: {  	p2 =	sne.s32 s15, s26  }
.Ltmp2:
0xdc: {  	_ = 	snop;
	(pc) =	sbr.rel @p2 .LBB2_1-.Ltmp2, $3  }
0xdd: {  	_ =	sdelay $0x1  }
0xde: {  	[sflag:s16] =	ssyncset.done @!p0 $0x0  }
0xdf: {  	[sflag:s16] =	ssyncadd.s32 @!p0 $0xFFFFD880  }
0xe0: {  	_ =	sfence.sel $0x180000  }
0xe1: {  	[bflag:$0x0] =	sbarrier.arrive $0xFFFF  }
0xe2: {  	_ =	strace $0x90000047  }
0xe3: {  	s0 =	stileid.u32;
	[bflag:$0x2] =	sbarrier.arrive $0xFFFF  }
0xe4: {  	p0 =	sne.s32 s0, $0x0;
	s0 =	rddreg [dreg:$0x4]  }
0xe5: {  	s0 =	sadd.s32 @!p0 $0x100000, s0  }
0xe6: {  	[sflag:s0] =	ssyncadd.tile.s32 @!p0 $0x1;
	_ =	shalt  }
.Lfunc_end2:
_tile_overlayer_lowered:
.L_overlay_start_2:
0xe7: {  	(tag) =	ssettag $0x2  }
0xe8: {  	s0 =	rddreg [dreg:$0x0];
	s2 =	stileid.u32  }
0xe9: {  	s1 =	rddreg [dreg:$0x1];
	p0 =	sne.s32 s2, $0x0  }
0xea: {  	s3 =	rddreg [dreg:$0x2];
	[bflag:$0x3] =	sbarrier.arrive $0xFFFF;
	s2 =	simm.s32 @!p0 $0x1C03  }
0xeb: {  	[timem:s3], [sflag:s2] =	dma.local @!p0 [hbm:s0], s1  }
0xec: {  	s0 =	simm.s32 @!p0 $0x3  }
0xed: {  	_ =	swait.ge @!p0 [sflag:s0], s1  }
0xee: {  	s1 =	ssub.s32 @!p0 $0x0, s1;
	[sflag:s0] =	ssyncset.done @!p0 $0x0  }
0xef: {  	[sflag:s0] =	ssyncadd.s32 @!p0 s1  }
0xf0: {  	[bflag:$0x3] =	sbarrier.arrive $0xFFFF  }
0xf1: {  	_ =	shalt  }

</sc_bundles>
